<compile_context>
chip_gen: v7x
topology: tpu7x:2x2x1
jax: 0.10.2.dev20260603
libtpu: 0.0.44.dev20260713+nightly
codegen_flags: <defaults>
</compile_context>

<pallas_src>
import functools

import jax
import jax.numpy as jnp
from jax import lax
from jax.experimental import pallas as pl
from jax.experimental.pallas import tpu as pltpu
from jax.experimental.pallas import tpu_sc as plsc

_N = 10000
_NPAD = 10240
_RPT = 640
_E = 320000
_CHUNK = 128
_NCHUNK = 80
_EPT = _NCHUNK * _CHUNK
_EPAD = _EPT * 32

@functools.cache
def _make_deg_kernel():
  _mesh = plsc.VectorSubcoreMesh(core_axis_name="c", subcore_axis_name="s")
  @functools.partial(
      pl.kernel, mesh=_mesh,
      out_type=jax.ShapeDtypeStruct((2, _NPAD), jnp.float32),
      scratch_types=[
          pltpu.VMEM((_NCHUNK, _CHUNK), jnp.int32),
          pltpu.VMEM((_CHUNK,), jnp.float32),
          pltpu.VMEM((_RPT,), jnp.float32),
          pltpu.VMEM_SHARED((_NPAD,), jnp.float32),
          pltpu.SemaphoreType.DMA,
      ],
  )
  def k(dst_hbm, ones_hbm, zeros_hbm, out_hbm, didx, onesv, stage, acc, sem):
    cid = lax.axis_index("c")
    sid = lax.axis_index("s")
    wid = cid * 16 + sid
    base_r = sid * _RPT
    pltpu.sync_copy(dst_hbm.at[pl.ds(wid * _NCHUNK, _NCHUNK)], didx)
    pltpu.sync_copy(ones_hbm, onesv)
    pltpu.sync_copy(zeros_hbm, stage)
    pltpu.sync_copy(stage, acc.at[pl.ds(base_r, _RPT)])
    plsc.subcore_barrier()

    def body(i, carry):
      for j in range(8):
        pltpu.async_copy(onesv, acc.at[didx.at[i * 8 + j]], sem, add=True)
      for j in range(8):
        pltpu.make_async_copy(onesv, acc.at[didx.at[i * 8 + j]], sem).wait()
      return carry

    lax.fori_loop(0, _NCHUNK // 8, body, 0)
    plsc.subcore_barrier()
    pltpu.sync_copy(acc.at[pl.ds(base_r, _RPT)], stage)
    pltpu.sync_copy(stage, out_hbm.at[cid, pl.ds(base_r, _RPT)])

  return k


@functools.cache
def _make_scatter_kernel(d):
  _mesh = plsc.VectorSubcoreMesh(core_axis_name="c", subcore_axis_name="s")
  @functools.partial(
      pl.kernel, mesh=_mesh,
      compiler_params=pltpu.CompilerParams(use_tc_tiling_on_sc=(d == 128)),
      out_type=jax.ShapeDtypeStruct((2, _NPAD, d), jnp.float32),
      scratch_types=[
          pltpu.VMEM((_NCHUNK, _CHUNK), jnp.int32),
          pltpu.VMEM((_CHUNK,), jnp.int32),
          pltpu.VMEM((_CHUNK,), jnp.int32),
          pltpu.VMEM((_CHUNK, d), jnp.float32),
          pltpu.VMEM((_CHUNK, d), jnp.float32),
          pltpu.VMEM_SHARED((_NPAD, d), jnp.float32),
          pltpu.SemaphoreType.DMA,
          pltpu.SemaphoreType.DMA,
      ],
  )
  def k(h_hbm, src_hbm, dst_hbm, zeros_hbm, out_hbm, sidx, didxa, didxb,
        bufa, bufb, acc, sema, semb):
    cid = lax.axis_index("c")
    sid = lax.axis_index("s")
    wid = cid * 16 + sid
    base_r = sid * _RPT
    cbase = wid * _NCHUNK
    pltpu.sync_copy(src_hbm.at[pl.ds(cbase, _NCHUNK)], sidx)
    pltpu.sync_copy(zeros_hbm, bufa)

    def zbody(j, carry):
      pltpu.sync_copy(bufa, acc.at[pl.ds(base_r + j * _CHUNK, _CHUNK)])
      return carry

    lax.fori_loop(0, _RPT // _CHUNK, zbody, 0)
    plsc.subcore_barrier()

    pltpu.async_copy(h_hbm.at[sidx.at[0]], bufa, sema)
    pltpu.sync_copy(dst_hbm.at[cbase], didxa)

    def body(i, carry):
      c0 = 2 * i
      pltpu.async_copy(h_hbm.at[sidx.at[c0 + 1]], bufb, semb)
      pltpu.sync_copy(dst_hbm.at[cbase + c0 + 1], didxb)
      pltpu.make_async_copy(h_hbm.at[sidx.at[c0]], bufa, sema).wait()
      pltpu.sync_copy(bufa, acc.at[didxa], add=True)

      @pl.when(i < _NCHUNK // 2 - 1)
      def _():
        pltpu.async_copy(h_hbm.at[sidx.at[c0 + 2]], bufa, sema)
        pltpu.sync_copy(dst_hbm.at[cbase + c0 + 2], didxa)

      pltpu.make_async_copy(h_hbm.at[sidx.at[c0 + 1]], bufb, semb).wait()
      pltpu.sync_copy(bufb, acc.at[didxb], add=True)
      return carry

    lax.fori_loop(0, _NCHUNK // 2, body, 0)
    plsc.subcore_barrier()

    def wbody(j, carry):
      r0 = base_r + j * _CHUNK
      pltpu.sync_copy(acc.at[pl.ds(r0, _CHUNK)], bufa)
      pltpu.sync_copy(bufa, out_hbm.at[cid, pl.ds(r0, _CHUNK)])
      return carry

    lax.fori_loop(0, _RPT // _CHUNK, wbody, 0)

  return k


_BLK = 1024
_GRID = _NPAD // _BLK


def _tc_a(x_ref, w_ref, deg_ref, h_ref, dinv_ref):
  deg = deg_ref[0] + deg_ref[1] + 1.0
  dinv = lax.rsqrt(deg)
  h = jnp.dot(x_ref[...], w_ref[...], preferred_element_type=jnp.float32)
  h_ref[...] = h * dinv[:, None]
  dinv_ref[...] = dinv


def _tc_b(acc_ref, h1_ref, dinv_ref, b1_ref, w2_ref, h2_ref):
  dinv = dinv_ref[...]
  s = acc_ref[0] + acc_ref[1] + h1_ref[...]
  t = jnp.maximum(s * dinv[:, None] + b1_ref[...], 0.0)
  h2 = jnp.dot(t, w2_ref[...], preferred_element_type=jnp.float32)
  h2_ref[...] = h2 * dinv[:, None]


def _tc_c(acc_ref, h2_ref, dinv_ref, b2_ref, o_ref):
  dinv = dinv_ref[...]
  s = acc_ref[0] + acc_ref[1] + h2_ref[...]
  o_ref[...] = s * dinv[:, None] + b2_ref[...]


def _stage_a(x_pad, W1, deg2):
  return pl.pallas_call(
      _tc_a,
      grid=(_GRID,),
      in_specs=[
          pl.BlockSpec((_BLK, 128), lambda i: (i, 0)),
          pl.BlockSpec((128, 128), lambda i: (0, 0)),
          pl.BlockSpec((2, _BLK), lambda i: (0, i)),
      ],
      out_specs=[
          pl.BlockSpec((_BLK, 128), lambda i: (i, 0)),
          pl.BlockSpec((_BLK,), lambda i: (i,)),
      ],
      out_shape=[
          jax.ShapeDtypeStruct((_NPAD, 128), jnp.float32),
          jax.ShapeDtypeStruct((_NPAD,), jnp.float32),
      ],
  )(x_pad, W1, deg2)


def _stage_b(acc1, h1p, dinv, b1, W2):
  return pl.pallas_call(
      _tc_b,
      grid=(_GRID,),
      in_specs=[
          pl.BlockSpec((2, _BLK, 128), lambda i: (0, i, 0)),
          pl.BlockSpec((_BLK, 128), lambda i: (i, 0)),
          pl.BlockSpec((_BLK,), lambda i: (i,)),
          pl.BlockSpec((128,), lambda i: (0,)),
          pl.BlockSpec((128, 64), lambda i: (0, 0)),
      ],
      out_specs=pl.BlockSpec((_BLK, 64), lambda i: (i, 0)),
      out_shape=jax.ShapeDtypeStruct((_NPAD, 64), jnp.float32),
  )(acc1, h1p, dinv, b1, W2)


def _stage_c(acc2, h2p, dinv, b2):
  return pl.pallas_call(
      _tc_c,
      grid=(_GRID,),
      in_specs=[
          pl.BlockSpec((2, _BLK, 64), lambda i: (0, i, 0)),
          pl.BlockSpec((_BLK, 64), lambda i: (i, 0)),
          pl.BlockSpec((_BLK,), lambda i: (i,)),
          pl.BlockSpec((64,), lambda i: (0,)),
      ],
      out_specs=pl.BlockSpec((_BLK, 64), lambda i: (i, 0)),
      out_shape=jax.ShapeDtypeStruct((_NPAD, 64), jnp.float32),
  )(acc2, h2p, dinv, b2)


def kernel(x, edge_index, W1, b1, W2, b2):
  src = edge_index[0].astype(jnp.int32)
  dst = edge_index[1].astype(jnp.int32)
  ppt = (_EPAD - _E) // 32
  padblk = jnp.broadcast_to(_N + jnp.arange(ppt, dtype=jnp.int32), (32, ppt))

  def _pad_edges(a):
    a2 = jnp.concatenate([a.reshape(32, _E // 32), padblk], axis=1)
    return a2.reshape(_EPAD // _CHUNK, _CHUNK)

  src_p = _pad_edges(src)
  dst_p = _pad_edges(dst)

  ones_c = jnp.ones((_CHUNK,), jnp.float32)
  zeros_r = jnp.zeros((_RPT,), jnp.float32)
  zeros128 = jnp.zeros((_CHUNK, 128), jnp.float32)
  zeros64 = jnp.zeros((_CHUNK, 64), jnp.float32)
  x_pad = jnp.zeros((_NPAD, 128), jnp.float32).at[:_N].set(x)

  deg2 = _make_deg_kernel()(dst_p, ones_c, zeros_r)
  h1p, dinv = _stage_a(x_pad, W1, deg2)
  acc1 = _make_scatter_kernel(128)(h1p, src_p, dst_p, zeros128)
  h2p = _stage_b(acc1, h1p, dinv, b1, W2)
  acc2 = _make_scatter_kernel(64)(h2p, src_p, dst_p, zeros64)
  out = _stage_c(acc2, h2p, dinv, b2)
  return out[:_N]

# --- scband reference (transcript-rebuilt; emitter-appended) ---
"""Pipeline reference for scband-gcnencoder-23295902614134 (READ-ONLY COPY).

The authoritative reference and input builder live on the scoring server;
editing this copy changes nothing except your own understanding.
"""

import jax, jax.numpy as jnp
import numpy as np

N_NODES = 10000
N_EDGES = 320000
IN_CH = 128
OUT_CH = 64
HID = 2 * OUT_CH


def _gcn_conv(x, edge_index, W, b, n_nodes):
    # PyG GCNConv: x' = D^{-1/2} (A + I) D^{-1/2} (X W) + b
    src = edge_index[0]
    dst = edge_index[1]
    loop = jnp.arange(n_nodes, dtype=edge_index.dtype)
    src = jnp.concatenate([src, loop])
    dst = jnpp_concat(dst, loop) if False else jnp.concatenate([dst, loop])
    # linear transform first (as in PyG when in >= out it is equivalent)
    h = x @ W
    # symmetric normalization with unit edge weights + self loops
    ones = jnp.ones(src.shape[0], dtype=x.dtype)
    deg = jax.ops.segment_sum(ones, dst, num_segments=n_nodes)
    deg_inv_sqrt = jnp.where(deg > 0, deg ** -0.5, 0.0)
    norm = deg_inv_sqrt[src] * deg_inv_sqrt[dst]
    msg = h[src] * norm[:, None]
    out = jax.ops.segment_sum(msg, dst, num_segments=n_nodes)
    return out + b


def setup_inputs(seed: int = 0) -> dict:
    key = jax.random.key(seed)
    k_x, k_e, k_w1, k_b1, k_w2, k_b2 = jax.random.split(key, 6)
    x = jax.random.normal(k_x, (N_NODES, IN_CH), dtype=jnp.float32)
    edge_index = jax.random.randint(k_e, (2, N_EDGES), 0, N_NODES, dtype=jnp.int64)
    glorot1 = (6.0 / (IN_CH + HID)) ** 0.5
    glorot2 = (6.0 / (HID + OUT_CH)) ** 0.5
    W1 = jax.random.uniform(k_w1, (IN_CH, HID), dtype=jnp.float32, minval=-glorot1, maxval=glorot1)
    b1 = jnp.zeros((HID,), dtype=jnp.float32)
    W2 = jax.random.uniform(k_w2, (HID, OUT_CH), dtype=jnp.float32, minval=-glorot2, maxval=glorot2)
    b2 = jnp.zeros((OUT_CH,), dtype=jnp.float32)
    return {"x": x, "edge_index": edge_index, "W1": W1, "b1": b1, "W2": W2, "b2": b2}


def reference(x, edge_index, W1, b1, W2, b2):
    h = _gcn_conv(x, edge_index, W1, b1, N_NODES)
    h = jax.nn.relu(h)
    out = _gcn_conv(h, edge_index, W2, b2, N_NODES)
    return out

if __name__ == "__main__":
    import jax
    _d = setup_inputs()
    print(jax.jit(kernel)(*tuple(_d.values())))

</pallas_src>

<mosaic_0001>
#map = affine_map<(d0, d1) -> (0, 0)>
#map1 = affine_map<(d0, d1) -> (0)>
module attributes {stable_mosaic.version = 14 : i64} {
  func.func @k(%arg0: i32, %arg1: i32, %arg2: memref<2560x128xi32, #tpu.memory_space<hbm>>, %arg3: memref<128xf32, #tpu.memory_space<hbm>>, %arg4: memref<640xf32, #tpu.memory_space<hbm>>, %arg5: memref<2x10240xf32, #tpu.memory_space<hbm>>, %arg6: memref<80x128xi32, #tpu.memory_space<vmem>>, %arg7: memref<128xf32, #tpu.memory_space<vmem>>, %arg8: memref<640xf32, #tpu.memory_space<vmem>>, %arg9: memref<10240xf32, #tpu.memory_space<vmem_shared>>, %arg10: memref<!tpu.dma_semaphore, #tpu.memory_space<semaphore_mem>>) attributes {dimension_semantics = [#tpu.dimension_semantics<core_parallel>, #tpu.dimension_semantics<subcore_parallel>], iteration_bounds = array<i64: 2, 16>, scalar_prefetch = 0 : i64, scratch_operands = 5 : i64, tpu.core_type = #tpu.core_type<sc_vector_subcore>, window_params = [{transform_indices = #map}, {transform_indices = #map1}, {transform_indices = #map1}, {transform_indices = #map}]} {
    %mul3A = arith.constant 16 : i32
    %mul3A_0 = arith.muli %arg0, %mul3A : i32
    %add3A = arith.addi %mul3A_0, %arg1 : i32
    %mul3A_1 = arith.constant 640 : i32
    %mul3A_2 = arith.muli %arg1, %mul3A_1 : i32
    %mul3A_3 = arith.constant 80 : i32
    %mul3A_4 = arith.muli %add3A, %mul3A_3 : i32
    "tpu.region"() ({
      %run_scoped3A = tpu.sem_alloc : memref<!tpu.dma_semaphore, #tpu.memory_space<semaphore_mem>>
      %dma_start3A = arith.constant 0 : i32
      %dma_start3A_11 = tpu.memref_slice %arg2[%mul3A_4, %dma_start3A] : memref<2560x128xi32, #tpu.memory_space<hbm>> -> memref<80x128xi32, #tpu.memory_space<hbm>>
      %dma_start3A_12 = arith.constant 0 : i32
      %dma_start3A_13 = tpu.memref_slice %arg2[%mul3A_4, %dma_start3A_12] : memref<2560x128xi32, #tpu.memory_space<hbm>> -> memref<80x128xi32, #tpu.memory_space<hbm>>
      tpu.enqueue_dma source(%dma_start3A_13 : memref<80x128xi32, #tpu.memory_space<hbm>>) target(%arg6 : memref<80x128xi32, #tpu.memory_space<vmem>>) target_semaphore(%run_scoped3A : memref<!tpu.dma_semaphore, #tpu.memory_space<semaphore_mem>>)
      %dma_wait3A = arith.constant 0 : i32
      %dma_wait3A_14 = tpu.memref_slice %arg2[%mul3A_4, %dma_wait3A] : memref<2560x128xi32, #tpu.memory_space<hbm>> -> memref<80x128xi32, #tpu.memory_space<hbm>>
      %dma_wait3A_15 = arith.constant 0 : i32
      %dma_wait3A_16 = tpu.memref_slice %arg2[%mul3A_4, %dma_wait3A_15] : memref<2560x128xi32, #tpu.memory_space<hbm>> -> memref<80x128xi32, #tpu.memory_space<hbm>>
      tpu.wait_dma2 semaphore(%run_scoped3A : memref<!tpu.dma_semaphore, #tpu.memory_space<semaphore_mem>>) src(%dma_wait3A_16 : memref<80x128xi32, #tpu.memory_space<hbm>>) dst(%arg6 : memref<80x128xi32, #tpu.memory_space<vmem>>)
      tpu.yield
    }) : () -> ()
    "tpu.region"() ({
      %run_scoped3A = tpu.sem_alloc : memref<!tpu.dma_semaphore, #tpu.memory_space<semaphore_mem>>
      tpu.enqueue_dma source(%arg3 : memref<128xf32, #tpu.memory_space<hbm>>) target(%arg7 : memref<128xf32, #tpu.memory_space<vmem>>) target_semaphore(%run_scoped3A : memref<!tpu.dma_semaphore, #tpu.memory_space<semaphore_mem>>)
      tpu.wait_dma2 semaphore(%run_scoped3A : memref<!tpu.dma_semaphore, #tpu.memory_space<semaphore_mem>>) src(%arg3 : memref<128xf32, #tpu.memory_space<hbm>>) dst(%arg7 : memref<128xf32, #tpu.memory_space<vmem>>)
      tpu.yield
    }) : () -> ()
    "tpu.region"() ({
      %run_scoped3A = tpu.sem_alloc : memref<!tpu.dma_semaphore, #tpu.memory_space<semaphore_mem>>
      tpu.enqueue_dma source(%arg4 : memref<640xf32, #tpu.memory_space<hbm>>) target(%arg8 : memref<640xf32, #tpu.memory_space<vmem>>) target_semaphore(%run_scoped3A : memref<!tpu.dma_semaphore, #tpu.memory_space<semaphore_mem>>)
      tpu.wait_dma2 semaphore(%run_scoped3A : memref<!tpu.dma_semaphore, #tpu.memory_space<semaphore_mem>>) src(%arg4 : memref<640xf32, #tpu.memory_space<hbm>>) dst(%arg8 : memref<640xf32, #tpu.memory_space<vmem>>)
      tpu.yield
    }) : () -> ()
    "tpu.region"() ({
      %run_scoped3A = tpu.sem_alloc : memref<!tpu.dma_semaphore, #tpu.memory_space<semaphore_mem>>
      %dma_start3A = tpu.memref_slice %arg9[%mul3A_2] : memref<10240xf32, #tpu.memory_space<vmem_shared>> -> memref<640xf32, #tpu.memory_space<vmem_shared>>
      %dma_start3A_11 = tpu.memref_slice %arg9[%mul3A_2] : memref<10240xf32, #tpu.memory_space<vmem_shared>> -> memref<640xf32, #tpu.memory_space<vmem_shared>>
      tpu.enqueue_dma source(%arg8 : memref<640xf32, #tpu.memory_space<vmem>>) target(%dma_start3A_11 : memref<640xf32, #tpu.memory_space<vmem_shared>>) target_semaphore(%run_scoped3A : memref<!tpu.dma_semaphore, #tpu.memory_space<semaphore_mem>>)
      %dma_wait3A = tpu.memref_slice %arg9[%mul3A_2] : memref<10240xf32, #tpu.memory_space<vmem_shared>> -> memref<640xf32, #tpu.memory_space<vmem_shared>>
      %dma_wait3A_12 = tpu.memref_slice %arg9[%mul3A_2] : memref<10240xf32, #tpu.memory_space<vmem_shared>> -> memref<640xf32, #tpu.memory_space<vmem_shared>>
      tpu.wait_dma2 semaphore(%run_scoped3A : memref<!tpu.dma_semaphore, #tpu.memory_space<semaphore_mem>>) src(%arg8 : memref<640xf32, #tpu.memory_space<vmem>>) dst(%dma_wait3A_12 : memref<640xf32, #tpu.memory_space<vmem_shared>>)
      tpu.yield
    }) : () -> ()
    %barrier3A = arith.constant 0 : index
    tpu.barrier barrier_id(%barrier3A)
    %scan3A = arith.constant 0 : i32
    %scan3A_5 = arith.constant 0 : i32
    %scan3A_6 = arith.constant 10 : i32
    %scan3A_7 = arith.addi %scan3A_5, %scan3A_6 : i32
    %scan3A_8 = arith.constant 1 : i32
    scf.for %scan3A_11 = %scan3A_5 to %scan3A_7 step %scan3A_8  : i32 {
      %mul3A_12 = arith.constant 8 : i32
      %mul3A_13 = arith.muli %scan3A_11, %mul3A_12 : i32
      %add3A_14 = arith.constant 0 : i32
      %add3A_15 = arith.addi %mul3A_13, %add3A_14 : i32
      %dma_start3A = arith.constant 0 : i32
      %dma_start3A_16 = tpu.memref_slice %arg6[%add3A_15, %dma_start3A] : memref<80x128xi32, #tpu.memory_space<vmem>> -> memref<1x128xi32, #tpu.memory_space<vmem>>
      %dma_start3A_17 = tpu.memref_squeeze %dma_start3A_16 : memref<1x128xi32, #tpu.memory_space<vmem>> -> memref<128xi32, #tpu.memory_space<vmem>>
      %dma_start3A_18 = arith.constant 0 : i32
      %dma_start3A_19 = tpu.memref_slice %arg9[%dma_start3A_18] : memref<10240xf32, #tpu.memory_space<vmem_shared>> -> memref<10240xf32, #tpu.memory_space<vmem_shared>>
      tpu.enqueue_indirect_dma source(%arg7 : memref<128xf32, #tpu.memory_space<vmem>>) target(%dma_start3A_19 : memref<10240xf32, #tpu.memory_space<vmem_shared>>) offsets(%dma_start3A_17 : memref<128xi32, #tpu.memory_space<vmem>>) semaphore(%arg10 : memref<!tpu.dma_semaphore, #tpu.memory_space<semaphore_mem>>) {add = true}
      %mul3A_20 = arith.constant 8 : i32
      %mul3A_21 = arith.muli %scan3A_11, %mul3A_20 : i32
      %add3A_22 = arith.constant 1 : i32
      %add3A_23 = arith.addi %mul3A_21, %add3A_22 : i32
      %dma_start3A_24 = arith.constant 0 : i32
      %dma_start3A_25 = tpu.memref_slice %arg6[%add3A_23, %dma_start3A_24] : memref<80x128xi32, #tpu.memory_space<vmem>> -> memref<1x128xi32, #tpu.memory_space<vmem>>
      %dma_start3A_26 = tpu.memref_squeeze %dma_start3A_25 : memref<1x128xi32, #tpu.memory_space<vmem>> -> memref<128xi32, #tpu.memory_space<vmem>>
      %dma_start3A_27 = arith.constant 0 : i32
      %dma_start3A_28 = tpu.memref_slice %arg9[%dma_start3A_27] : memref<10240xf32, #tpu.memory_space<vmem_shared>> -> memref<10240xf32, #tpu.memory_space<vmem_shared>>
      tpu.enqueue_indirect_dma source(%arg7 : memref<128xf32, #tpu.memory_space<vmem>>) target(%dma_start3A_28 : memref<10240xf32, #tpu.memory_space<vmem_shared>>) offsets(%dma_start3A_26 : memref<128xi32, #tpu.memory_space<vmem>>) semaphore(%arg10 : memref<!tpu.dma_semaphore, #tpu.memory_space<semaphore_mem>>) {add = true}
      %mul3A_29 = arith.constant 8 : i32
      %mul3A_30 = arith.muli %scan3A_11, %mul3A_29 : i32
      %add3A_31 = arith.constant 2 : i32
      %add3A_32 = arith.addi %mul3A_30, %add3A_31 : i32
      %dma_start3A_33 = arith.constant 0 : i32
      %dma_start3A_34 = tpu.memref_slice %arg6[%add3A_32, %dma_start3A_33] : memref<80x128xi32, #tpu.memory_space<vmem>> -> memref<1x128xi32, #tpu.memory_space<vmem>>
      %dma_start3A_35 = tpu.memref_squeeze %dma_start3A_34 : memref<1x128xi32, #tpu.memory_space<vmem>> -> memref<128xi32, #tpu.memory_space<vmem>>
      %dma_start3A_36 = arith.constant 0 : i32
      %dma_start3A_37 = tpu.memref_slice %arg9[%dma_start3A_36] : memref<10240xf32, #tpu.memory_space<vmem_shared>> -> memref<10240xf32, #tpu.memory_space<vmem_shared>>
      tpu.enqueue_indirect_dma source(%arg7 : memref<128xf32, #tpu.memory_space<vmem>>) target(%dma_start3A_37 : memref<10240xf32, #tpu.memory_space<vmem_shared>>) offsets(%dma_start3A_35 : memref<128xi32, #tpu.memory_space<vmem>>) semaphore(%arg10 : memref<!tpu.dma_semaphore, #tpu.memory_space<semaphore_mem>>) {add = true}
      %mul3A_38 = arith.constant 8 : i32
      %mul3A_39 = arith.muli %scan3A_11, %mul3A_38 : i32
      %add3A_40 = arith.constant 3 : i32
      %add3A_41 = arith.addi %mul3A_39, %add3A_40 : i32
      %dma_start3A_42 = arith.constant 0 : i32
      %dma_start3A_43 = tpu.memref_slice %arg6[%add3A_41, %dma_start3A_42] : memref<80x128xi32, #tpu.memory_space<vmem>> -> memref<1x128xi32, #tpu.memory_space<vmem>>
      %dma_start3A_44 = tpu.memref_squeeze %dma_start3A_43 : memref<1x128xi32, #tpu.memory_space<vmem>> -> memref<128xi32, #tpu.memory_space<vmem>>
      %dma_start3A_45 = arith.constant 0 : i32
      %dma_start3A_46 = tpu.memref_slice %arg9[%dma_start3A_45] : memref<10240xf32, #tpu.memory_space<vmem_shared>> -> memref<10240xf32, #tpu.memory_space<vmem_shared>>
      tpu.enqueue_indirect_dma source(%arg7 : memref<128xf32, #tpu.memory_space<vmem>>) target(%dma_start3A_46 : memref<10240xf32, #tpu.memory_space<vmem_shared>>) offsets(%dma_start3A_44 : memref<128xi32, #tpu.memory_space<vmem>>) semaphore(%arg10 : memref<!tpu.dma_semaphore, #tpu.memory_space<semaphore_mem>>) {add = true}
      %mul3A_47 = arith.constant 8 : i32
      %mul3A_48 = arith.muli %scan3A_11, %mul3A_47 : i32
      %add3A_49 = arith.constant 4 : i32
      %add3A_50 = arith.addi %mul3A_48, %add3A_49 : i32
      %dma_start3A_51 = arith.constant 0 : i32
      %dma_start3A_52 = tpu.memref_slice %arg6[%add3A_50, %dma_start3A_51] : memref<80x128xi32, #tpu.memory_space<vmem>> -> memref<1x128xi32, #tpu.memory_space<vmem>>
      %dma_start3A_53 = tpu.memref_squeeze %dma_start3A_52 : memref<1x128xi32, #tpu.memory_space<vmem>> -> memref<128xi32, #tpu.memory_space<vmem>>
      %dma_start3A_54 = arith.constant 0 : i32
      %dma_start3A_55 = tpu.memref_slice %arg9[%dma_start3A_54] : memref<10240xf32, #tpu.memory_space<vmem_shared>> -> memref<10240xf32, #tpu.memory_space<vmem_shared>>
      tpu.enqueue_indirect_dma source(%arg7 : memref<128xf32, #tpu.memory_space<vmem>>) target(%dma_start3A_55 : memref<10240xf32, #tpu.memory_space<vmem_shared>>) offsets(%dma_start3A_53 : memref<128xi32, #tpu.memory_space<vmem>>) semaphore(%arg10 : memref<!tpu.dma_semaphore, #tpu.memory_space<semaphore_mem>>) {add = true}
      %mul3A_56 = arith.constant 8 : i32
      %mul3A_57 = arith.muli %scan3A_11, %mul3A_56 : i32
      %add3A_58 = arith.constant 5 : i32
      %add3A_59 = arith.addi %mul3A_57, %add3A_58 : i32
      %dma_start3A_60 = arith.constant 0 : i32
      %dma_start3A_61 = tpu.memref_slice %arg6[%add3A_59, %dma_start3A_60] : memref<80x128xi32, #tpu.memory_space<vmem>> -> memref<1x128xi32, #tpu.memory_space<vmem>>
      %dma_start3A_62 = tpu.memref_squeeze %dma_start3A_61 : memref<1x128xi32, #tpu.memory_space<vmem>> -> memref<128xi32, #tpu.memory_space<vmem>>
      %dma_start3A_63 = arith.constant 0 : i32
      %dma_start3A_64 = tpu.memref_slice %arg9[%dma_start3A_63] : memref<10240xf32, #tpu.memory_space<vmem_shared>> -> memref<10240xf32, #tpu.memory_space<vmem_shared>>
      tpu.enqueue_indirect_dma source(%arg7 : memref<128xf32, #tpu.memory_space<vmem>>) target(%dma_start3A_64 : memref<10240xf32, #tpu.memory_space<vmem_shared>>) offsets(%dma_start3A_62 : memref<128xi32, #tpu.memory_space<vmem>>) semaphore(%arg10 : memref<!tpu.dma_semaphore, #tpu.memory_space<semaphore_mem>>) {add = true}
      %mul3A_65 = arith.constant 8 : i32
      %mul3A_66 = arith.muli %scan3A_11, %mul3A_65 : i32
      %add3A_67 = arith.constant 6 : i32
      %add3A_68 = arith.addi %mul3A_66, %add3A_67 : i32
      %dma_start3A_69 = arith.constant 0 : i32
      %dma_start3A_70 = tpu.memref_slice %arg6[%add3A_68, %dma_start3A_69] : memref<80x128xi32, #tpu.memory_space<vmem>> -> memref<1x128xi32, #tpu.memory_space<vmem>>
      %dma_start3A_71 = tpu.memref_squeeze %dma_start3A_70 : memref<1x128xi32, #tpu.memory_space<vmem>> -> memref<128xi32, #tpu.memory_space<vmem>>
      %dma_start3A_72 = arith.constant 0 : i32
      %dma_start3A_73 = tpu.memref_slice %arg9[%dma_start3A_72] : memref<10240xf32, #tpu.memory_space<vmem_shared>> -> memref<10240xf32, #tpu.memory_space<vmem_shared>>
      tpu.enqueue_indirect_dma source(%arg7 : memref<128xf32, #tpu.memory_space<vmem>>) target(%dma_start3A_73 : memref<10240xf32, #tpu.memory_space<vmem_shared>>) offsets(%dma_start3A_71 : memref<128xi32, #tpu.memory_space<vmem>>) semaphore(%arg10 : memref<!tpu.dma_semaphore, #tpu.memory_space<semaphore_mem>>) {add = true}
      %mul3A_74 = arith.constant 8 : i32
      %mul3A_75 = arith.muli %scan3A_11, %mul3A_74 : i32
      %add3A_76 = arith.constant 7 : i32
      %add3A_77 = arith.addi %mul3A_75, %add3A_76 : i32
      %dma_start3A_78 = arith.constant 0 : i32
      %dma_start3A_79 = tpu.memref_slice %arg6[%add3A_77, %dma_start3A_78] : memref<80x128xi32, #tpu.memory_space<vmem>> -> memref<1x128xi32, #tpu.memory_space<vmem>>
      %dma_start3A_80 = tpu.memref_squeeze %dma_start3A_79 : memref<1x128xi32, #tpu.memory_space<vmem>> -> memref<128xi32, #tpu.memory_space<vmem>>
      %dma_start3A_81 = arith.constant 0 : i32
      %dma_start3A_82 = tpu.memref_slice %arg9[%dma_start3A_81] : memref<10240xf32, #tpu.memory_space<vmem_shared>> -> memref<10240xf32, #tpu.memory_space<vmem_shared>>
      tpu.enqueue_indirect_dma source(%arg7 : memref<128xf32, #tpu.memory_space<vmem>>) target(%dma_start3A_82 : memref<10240xf32, #tpu.memory_space<vmem_shared>>) offsets(%dma_start3A_80 : memref<128xi32, #tpu.memory_space<vmem>>) semaphore(%arg10 : memref<!tpu.dma_semaphore, #tpu.memory_space<semaphore_mem>>) {add = true}
      %mul3A_83 = arith.constant 8 : i32
      %mul3A_84 = arith.muli %scan3A_11, %mul3A_83 : i32
      %add3A_85 = arith.constant 0 : i32
      %add3A_86 = arith.addi %mul3A_84, %add3A_85 : i32
      %dma_wait3A = arith.constant 0 : i32
      %dma_wait3A_87 = tpu.memref_slice %arg6[%add3A_86, %dma_wait3A] : memref<80x128xi32, #tpu.memory_space<vmem>> -> memref<1x128xi32, #tpu.memory_space<vmem>>
      %dma_wait3A_88 = tpu.memref_squeeze %dma_wait3A_87 : memref<1x128xi32, #tpu.memory_space<vmem>> -> memref<128xi32, #tpu.memory_space<vmem>>
      %dma_wait3A_89 = arith.constant 0 : i32
      %dma_wait3A_90 = tpu.memref_slice %arg9[%dma_wait3A_89] : memref<10240xf32, #tpu.memory_space<vmem_shared>> -> memref<10240xf32, #tpu.memory_space<vmem_shared>>
      tpu.wait_indirect_dma semaphore(%arg10 : memref<!tpu.dma_semaphore, #tpu.memory_space<semaphore_mem>>) src(%arg7 : memref<128xf32, #tpu.memory_space<vmem>>) dst(%dma_wait3A_90 : memref<10240xf32, #tpu.memory_space<vmem_shared>>)
      %mul3A_91 = arith.constant 8 : i32
      %mul3A_92 = arith.muli %scan3A_11, %mul3A_91 : i32
      %add3A_93 = arith.constant 1 : i32
      %add3A_94 = arith.addi %mul3A_92, %add3A_93 : i32
      %dma_wait3A_95 = arith.constant 0 : i32
      %dma_wait3A_96 = tpu.memref_slice %arg6[%add3A_94, %dma_wait3A_95] : memref<80x128xi32, #tpu.memory_space<vmem>> -> memref<1x128xi32, #tpu.memory_space<vmem>>
      %dma_wait3A_97 = tpu.memref_squeeze %dma_wait3A_96 : memref<1x128xi32, #tpu.memory_space<vmem>> -> memref<128xi32, #tpu.memory_space<vmem>>
      %dma_wait3A_98 = arith.constant 0 : i32
      %dma_wait3A_99 = tpu.memref_slice %arg9[%dma_wait3A_98] : memref<10240xf32, #tpu.memory_space<vmem_shared>> -> memref<10240xf32, #tpu.memory_space<vmem_shared>>
      tpu.wait_indirect_dma semaphore(%arg10 : memref<!tpu.dma_semaphore, #tpu.memory_space<semaphore_mem>>) src(%arg7 : memref<128xf32, #tpu.memory_space<vmem>>) dst(%dma_wait3A_99 : memref<10240xf32, #tpu.memory_space<vmem_shared>>)
      %mul3A_100 = arith.constant 8 : i32
      %mul3A_101 = arith.muli %scan3A_11, %mul3A_100 : i32
      %add3A_102 = arith.constant 2 : i32
      %add3A_103 = arith.addi %mul3A_101, %add3A_102 : i32
      %dma_wait3A_104 = arith.constant 0 : i32
      %dma_wait3A_105 = tpu.memref_slice %arg6[%add3A_103, %dma_wait3A_104] : memref<80x128xi32, #tpu.memory_space<vmem>> -> memref<1x128xi32, #tpu.memory_space<vmem>>
      %dma_wait3A_106 = tpu.memref_squeeze %dma_wait3A_105 : memref<1x128xi32, #tpu.memory_space<vmem>> -> memref<128xi32, #tpu.memory_space<vmem>>
      %dma_wait3A_107 = arith.constant 0 : i32
      %dma_wait3A_108 = tpu.memref_slice %arg9[%dma_wait3A_107] : memref<10240xf32, #tpu.memory_space<vmem_shared>> -> memref<10240xf32, #tpu.memory_space<vmem_shared>>
      tpu.wait_indirect_dma semaphore(%arg10 : memref<!tpu.dma_semaphore, #tpu.memory_space<semaphore_mem>>) src(%arg7 : memref<128xf32, #tpu.memory_space<vmem>>) dst(%dma_wait3A_108 : memref<10240xf32, #tpu.memory_space<vmem_shared>>)
      %mul3A_109 = arith.constant 8 : i32
      %mul3A_110 = arith.muli %scan3A_11, %mul3A_109 : i32
      %add3A_111 = arith.constant 3 : i32
      %add3A_112 = arith.addi %mul3A_110, %add3A_111 : i32
      %dma_wait3A_113 = arith.constant 0 : i32
      %dma_wait3A_114 = tpu.memref_slice %arg6[%add3A_112, %dma_wait3A_113] : memref<80x128xi32, #tpu.memory_space<vmem>> -> memref<1x128xi32, #tpu.memory_space<vmem>>
      %dma_wait3A_115 = tpu.memref_squeeze %dma_wait3A_114 : memref<1x128xi32, #tpu.memory_space<vmem>> -> memref<128xi32, #tpu.memory_space<vmem>>
      %dma_wait3A_116 = arith.constant 0 : i32
      %dma_wait3A_117 = tpu.memref_slice %arg9[%dma_wait3A_116] : memref<10240xf32, #tpu.memory_space<vmem_shared>> -> memref<10240xf32, #tpu.memory_space<vmem_shared>>
      tpu.wait_indirect_dma semaphore(%arg10 : memref<!tpu.dma_semaphore, #tpu.memory_space<semaphore_mem>>) src(%arg7 : memref<128xf32, #tpu.memory_space<vmem>>) dst(%dma_wait3A_117 : memref<10240xf32, #tpu.memory_space<vmem_shared>>)
      %mul3A_118 = arith.constant 8 : i32
      %mul3A_119 = arith.muli %scan3A_11, %mul3A_118 : i32
      %add3A_120 = arith.constant 4 : i32
      %add3A_121 = arith.addi %mul3A_119, %add3A_120 : i32
      %dma_wait3A_122 = arith.constant 0 : i32
      %dma_wait3A_123 = tpu.memref_slice %arg6[%add3A_121, %dma_wait3A_122] : memref<80x128xi32, #tpu.memory_space<vmem>> -> memref<1x128xi32, #tpu.memory_space<vmem>>
      %dma_wait3A_124 = tpu.memref_squeeze %dma_wait3A_123 : memref<1x128xi32, #tpu.memory_space<vmem>> -> memref<128xi32, #tpu.memory_space<vmem>>
      %dma_wait3A_125 = arith.constant 0 : i32
      %dma_wait3A_126 = tpu.memref_slice %arg9[%dma_wait3A_125] : memref<10240xf32, #tpu.memory_space<vmem_shared>> -> memref<10240xf32, #tpu.memory_space<vmem_shared>>
      tpu.wait_indirect_dma semaphore(%arg10 : memref<!tpu.dma_semaphore, #tpu.memory_space<semaphore_mem>>) src(%arg7 : memref<128xf32, #tpu.memory_space<vmem>>) dst(%dma_wait3A_126 : memref<10240xf32, #tpu.memory_space<vmem_shared>>)
      %mul3A_127 = arith.constant 8 : i32
      %mul3A_128 = arith.muli %scan3A_11, %mul3A_127 : i32
      %add3A_129 = arith.constant 5 : i32
      %add3A_130 = arith.addi %mul3A_128, %add3A_129 : i32
      %dma_wait3A_131 = arith.constant 0 : i32
      %dma_wait3A_132 = tpu.memref_slice %arg6[%add3A_130, %dma_wait3A_131] : memref<80x128xi32, #tpu.memory_space<vmem>> -> memref<1x128xi32, #tpu.memory_space<vmem>>
      %dma_wait3A_133 = tpu.memref_squeeze %dma_wait3A_132 : memref<1x128xi32, #tpu.memory_space<vmem>> -> memref<128xi32, #tpu.memory_space<vmem>>
      %dma_wait3A_134 = arith.constant 0 : i32
      %dma_wait3A_135 = tpu.memref_slice %arg9[%dma_wait3A_134] : memref<10240xf32, #tpu.memory_space<vmem_shared>> -> memref<10240xf32, #tpu.memory_space<vmem_shared>>
      tpu.wait_indirect_dma semaphore(%arg10 : memref<!tpu.dma_semaphore, #tpu.memory_space<semaphore_mem>>) src(%arg7 : memref<128xf32, #tpu.memory_space<vmem>>) dst(%dma_wait3A_135 : memref<10240xf32, #tpu.memory_space<vmem_shared>>)
      %mul3A_136 = arith.constant 8 : i32
      %mul3A_137 = arith.muli %scan3A_11, %mul3A_136 : i32
      %add3A_138 = arith.constant 6 : i32
      %add3A_139 = arith.addi %mul3A_137, %add3A_138 : i32
      %dma_wait3A_140 = arith.constant 0 : i32
      %dma_wait3A_141 = tpu.memref_slice %arg6[%add3A_139, %dma_wait3A_140] : memref<80x128xi32, #tpu.memory_space<vmem>> -> memref<1x128xi32, #tpu.memory_space<vmem>>
      %dma_wait3A_142 = tpu.memref_squeeze %dma_wait3A_141 : memref<1x128xi32, #tpu.memory_space<vmem>> -> memref<128xi32, #tpu.memory_space<vmem>>
      %dma_wait3A_143 = arith.constant 0 : i32
      %dma_wait3A_144 = tpu.memref_slice %arg9[%dma_wait3A_143] : memref<10240xf32, #tpu.memory_space<vmem_shared>> -> memref<10240xf32, #tpu.memory_space<vmem_shared>>
      tpu.wait_indirect_dma semaphore(%arg10 : memref<!tpu.dma_semaphore, #tpu.memory_space<semaphore_mem>>) src(%arg7 : memref<128xf32, #tpu.memory_space<vmem>>) dst(%dma_wait3A_144 : memref<10240xf32, #tpu.memory_space<vmem_shared>>)
      %mul3A_145 = arith.constant 8 : i32
      %mul3A_146 = arith.muli %scan3A_11, %mul3A_145 : i32
      %add3A_147 = arith.constant 7 : i32
      %add3A_148 = arith.addi %mul3A_146, %add3A_147 : i32
      %dma_wait3A_149 = arith.constant 0 : i32
      %dma_wait3A_150 = tpu.memref_slice %arg6[%add3A_148, %dma_wait3A_149] : memref<80x128xi32, #tpu.memory_space<vmem>> -> memref<1x128xi32, #tpu.memory_space<vmem>>
      %dma_wait3A_151 = tpu.memref_squeeze %dma_wait3A_150 : memref<1x128xi32, #tpu.memory_space<vmem>> -> memref<128xi32, #tpu.memory_space<vmem>>
      %dma_wait3A_152 = arith.constant 0 : i32
      %dma_wait3A_153 = tpu.memref_slice %arg9[%dma_wait3A_152] : memref<10240xf32, #tpu.memory_space<vmem_shared>> -> memref<10240xf32, #tpu.memory_space<vmem_shared>>
      tpu.wait_indirect_dma semaphore(%arg10 : memref<!tpu.dma_semaphore, #tpu.memory_space<semaphore_mem>>) src(%arg7 : memref<128xf32, #tpu.memory_space<vmem>>) dst(%dma_wait3A_153 : memref<10240xf32, #tpu.memory_space<vmem_shared>>)
    }
    %scan3A_9 = arith.constant 10 : i32
    %barrier3A_10 = arith.constant 0 : index
    tpu.barrier barrier_id(%barrier3A_10)
    "tpu.region"() ({
      %run_scoped3A = tpu.sem_alloc : memref<!tpu.dma_semaphore, #tpu.memory_space<semaphore_mem>>
      %dma_start3A = tpu.memref_slice %arg9[%mul3A_2] : memref<10240xf32, #tpu.memory_space<vmem_shared>> -> memref<640xf32, #tpu.memory_space<vmem_shared>>
      %dma_start3A_11 = tpu.memref_slice %arg9[%mul3A_2] : memref<10240xf32, #tpu.memory_space<vmem_shared>> -> memref<640xf32, #tpu.memory_space<vmem_shared>>
      tpu.enqueue_dma source(%dma_start3A_11 : memref<640xf32, #tpu.memory_space<vmem_shared>>) target(%arg8 : memref<640xf32, #tpu.memory_space<vmem>>) target_semaphore(%run_scoped3A : memref<!tpu.dma_semaphore, #tpu.memory_space<semaphore_mem>>)
      %dma_wait3A = tpu.memref_slice %arg9[%mul3A_2] : memref<10240xf32, #tpu.memory_space<vmem_shared>> -> memref<640xf32, #tpu.memory_space<vmem_shared>>
      %dma_wait3A_12 = tpu.memref_slice %arg9[%mul3A_2] : memref<10240xf32, #tpu.memory_space<vmem_shared>> -> memref<640xf32, #tpu.memory_space<vmem_shared>>
      tpu.wait_dma2 semaphore(%run_scoped3A : memref<!tpu.dma_semaphore, #tpu.memory_space<semaphore_mem>>) src(%dma_wait3A_12 : memref<640xf32, #tpu.memory_space<vmem_shared>>) dst(%arg8 : memref<640xf32, #tpu.memory_space<vmem>>)
      tpu.yield
    }) : () -> ()
    "tpu.region"() ({
      %run_scoped3A = tpu.sem_alloc : memref<!tpu.dma_semaphore, #tpu.memory_space<semaphore_mem>>
      %dma_start3A = tpu.memref_slice %arg5[%arg0, %mul3A_2] : memref<2x10240xf32, #tpu.memory_space<hbm>> -> memref<1x640xf32, #tpu.memory_space<hbm>>
      %dma_start3A_11 = tpu.memref_squeeze %dma_start3A : memref<1x640xf32, #tpu.memory_space<hbm>> -> memref<640xf32, #tpu.memory_space<hbm>>
      %dma_start3A_12 = tpu.memref_slice %arg5[%arg0, %mul3A_2] : memref<2x10240xf32, #tpu.memory_space<hbm>> -> memref<1x640xf32, #tpu.memory_space<hbm>>
      %dma_start3A_13 = tpu.memref_squeeze %dma_start3A_12 : memref<1x640xf32, #tpu.memory_space<hbm>> -> memref<640xf32, #tpu.memory_space<hbm>>
      tpu.enqueue_dma source(%arg8 : memref<640xf32, #tpu.memory_space<vmem>>) target(%dma_start3A_13 : memref<640xf32, #tpu.memory_space<hbm>>) target_semaphore(%run_scoped3A : memref<!tpu.dma_semaphore, #tpu.memory_space<semaphore_mem>>)
      %dma_wait3A = tpu.memref_slice %arg5[%arg0, %mul3A_2] : memref<2x10240xf32, #tpu.memory_space<hbm>> -> memref<1x640xf32, #tpu.memory_space<hbm>>
      %dma_wait3A_14 = tpu.memref_squeeze %dma_wait3A : memref<1x640xf32, #tpu.memory_space<hbm>> -> memref<640xf32, #tpu.memory_space<hbm>>
      %dma_wait3A_15 = tpu.memref_slice %arg5[%arg0, %mul3A_2] : memref<2x10240xf32, #tpu.memory_space<hbm>> -> memref<1x640xf32, #tpu.memory_space<hbm>>
      %dma_wait3A_16 = tpu.memref_squeeze %dma_wait3A_15 : memref<1x640xf32, #tpu.memory_space<hbm>> -> memref<640xf32, #tpu.memory_space<hbm>>
      tpu.wait_dma2 semaphore(%run_scoped3A : memref<!tpu.dma_semaphore, #tpu.memory_space<semaphore_mem>>) src(%arg8 : memref<640xf32, #tpu.memory_space<vmem>>) dst(%dma_wait3A_16 : memref<640xf32, #tpu.memory_space<hbm>>)
      tpu.yield
    }) : () -> ()
    return
  }
}

#map = affine_map<(d0, d1) -> (0, 0)>
#map1 = affine_map<(d0, d1) -> (0, 0, 0)>
module attributes {stable_mosaic.version = 14 : i64} {
  func.func @k(%arg0: i32, %arg1: i32, %arg2: memref<10240x128xf32, #tpu.memory_space<hbm>>, %arg3: memref<2560x128xi32, #tpu.memory_space<hbm>>, %arg4: memref<2560x128xi32, #tpu.memory_space<hbm>>, %arg5: memref<128x128xf32, #tpu.memory_space<hbm>>, %arg6: memref<2x10240x128xf32, #tpu.memory_space<hbm>>, %arg7: memref<80x128xi32, #tpu.memory_space<vmem>>, %arg8: memref<128xi32, #tpu.memory_space<vmem>>, %arg9: memref<128xi32, #tpu.memory_space<vmem>>, %arg10: memref<128x128xf32, #tpu.memory_space<vmem>>, %arg11: memref<128x128xf32, #tpu.memory_space<vmem>>, %arg12: memref<10240x128xf32, #tpu.memory_space<vmem_shared>>, %arg13: memref<!tpu.dma_semaphore, #tpu.memory_space<semaphore_mem>>, %arg14: memref<!tpu.dma_semaphore, #tpu.memory_space<semaphore_mem>>) attributes {dimension_semantics = [#tpu.dimension_semantics<core_parallel>, #tpu.dimension_semantics<subcore_parallel>], iteration_bounds = array<i64: 2, 16>, scalar_prefetch = 0 : i64, scratch_operands = 8 : i64, tpu.core_type = #tpu.core_type<sc_vector_subcore>, window_params = [{transform_indices = #map}, {transform_indices = #map}, {transform_indices = #map}, {transform_indices = #map}, {transform_indices = #map1}]} {
    %mul3A = arith.constant 16 : i32
    %mul3A_0 = arith.muli %arg0, %mul3A : i32
    %add3A = arith.addi %mul3A_0, %arg1 : i32
    %mul3A_1 = arith.constant 640 : i32
    %mul3A_2 = arith.muli %arg1, %mul3A_1 : i32
    %mul3A_3 = arith.constant 80 : i32
    %mul3A_4 = arith.muli %add3A, %mul3A_3 : i32
    "tpu.region"() ({
      %run_scoped3A = tpu.sem_alloc : memref<!tpu.dma_semaphore, #tpu.memory_space<semaphore_mem>>
      %dma_start3A_29 = arith.constant 0 : i32
      %dma_start3A_30 = tpu.memref_slice %arg3[%mul3A_4, %dma_start3A_29] : memref<2560x128xi32, #tpu.memory_space<hbm>> -> memref<80x128xi32, #tpu.memory_space<hbm>>
      %dma_start3A_31 = arith.constant 0 : i32
      %dma_start3A_32 = tpu.memref_slice %arg3[%mul3A_4, %dma_start3A_31] : memref<2560x128xi32, #tpu.memory_space<hbm>> -> memref<80x128xi32, #tpu.memory_space<hbm>>
      tpu.enqueue_dma source(%dma_start3A_32 : memref<80x128xi32, #tpu.memory_space<hbm>>) target(%arg7 : memref<80x128xi32, #tpu.memory_space<vmem>>) target_semaphore(%run_scoped3A : memref<!tpu.dma_semaphore, #tpu.memory_space<semaphore_mem>>)
      %dma_wait3A = arith.constant 0 : i32
      %dma_wait3A_33 = tpu.memref_slice %arg3[%mul3A_4, %dma_wait3A] : memref<2560x128xi32, #tpu.memory_space<hbm>> -> memref<80x128xi32, #tpu.memory_space<hbm>>
      %dma_wait3A_34 = arith.constant 0 : i32
      %dma_wait3A_35 = tpu.memref_slice %arg3[%mul3A_4, %dma_wait3A_34] : memref<2560x128xi32, #tpu.memory_space<hbm>> -> memref<80x128xi32, #tpu.memory_space<hbm>>
      tpu.wait_dma2 semaphore(%run_scoped3A : memref<!tpu.dma_semaphore, #tpu.memory_space<semaphore_mem>>) src(%dma_wait3A_35 : memref<80x128xi32, #tpu.memory_space<hbm>>) dst(%arg7 : memref<80x128xi32, #tpu.memory_space<vmem>>)
      tpu.yield
    }) : () -> ()
    "tpu.region"() ({
      %run_scoped3A = tpu.sem_alloc : memref<!tpu.dma_semaphore, #tpu.memory_space<semaphore_mem>>
      tpu.enqueue_dma source(%arg5 : memref<128x128xf32, #tpu.memory_space<hbm>>) target(%arg10 : memref<128x128xf32, #tpu.memory_space<vmem>>) target_semaphore(%run_scoped3A : memref<!tpu.dma_semaphore, #tpu.memory_space<semaphore_mem>>)
      tpu.wait_dma2 semaphore(%run_scoped3A : memref<!tpu.dma_semaphore, #tpu.memory_space<semaphore_mem>>) src(%arg5 : memref<128x128xf32, #tpu.memory_space<hbm>>) dst(%arg10 : memref<128x128xf32, #tpu.memory_space<vmem>>)
      tpu.yield
    }) : () -> ()
    %scan3A = arith.constant 0 : i32
    %scan3A_5 = arith.constant 0 : i32
    %scan3A_6 = arith.constant 5 : i32
    %scan3A_7 = arith.addi %scan3A_5, %scan3A_6 : i32
    %scan3A_8 = arith.constant 1 : i32
    scf.for %scan3A_29 = %scan3A_5 to %scan3A_7 step %scan3A_8  : i32 {
      %mul3A_30 = arith.constant 128 : i32
      %mul3A_31 = arith.muli %scan3A_29, %mul3A_30 : i32
      %add3A_32 = arith.addi %mul3A_2, %mul3A_31 : i32
      "tpu.region"() ({
        %run_scoped3A = tpu.sem_alloc : memref<!tpu.dma_semaphore, #tpu.memory_space<semaphore_mem>>
        %dma_start3A_33 = arith.constant 0 : i32
        %dma_start3A_34 = tpu.memref_slice %arg12[%add3A_32, %dma_start3A_33] : memref<10240x128xf32, #tpu.memory_space<vmem_shared>> -> memref<128x128xf32, #tpu.memory_space<vmem_shared>>
        %dma_start3A_35 = arith.constant 0 : i32
        %dma_start3A_36 = tpu.memref_slice %arg12[%add3A_32, %dma_start3A_35] : memref<10240x128xf32, #tpu.memory_space<vmem_shared>> -> memref<128x128xf32, #tpu.memory_space<vmem_shared>>
        tpu.enqueue_dma source(%arg10 : memref<128x128xf32, #tpu.memory_space<vmem>>) target(%dma_start3A_36 : memref<128x128xf32, #tpu.memory_space<vmem_shared>>) target_semaphore(%run_scoped3A : memref<!tpu.dma_semaphore, #tpu.memory_space<semaphore_mem>>)
        %dma_wait3A = arith.constant 0 : i32
        %dma_wait3A_37 = tpu.memref_slice %arg12[%add3A_32, %dma_wait3A] : memref<10240x128xf32, #tpu.memory_space<vmem_shared>> -> memref<128x128xf32, #tpu.memory_space<vmem_shared>>
        %dma_wait3A_38 = arith.constant 0 : i32
        %dma_wait3A_39 = tpu.memref_slice %arg12[%add3A_32, %dma_wait3A_38] : memref<10240x128xf32, #tpu.memory_space<vmem_shared>> -> memref<128x128xf32, #tpu.memory_space<vmem_shared>>
        tpu.wait_dma2 semaphore(%run_scoped3A : memref<!tpu.dma_semaphore, #tpu.memory_space<semaphore_mem>>) src(%arg10 : memref<128x128xf32, #tpu.memory_space<vmem>>) dst(%dma_wait3A_39 : memref<128x128xf32, #tpu.memory_space<vmem_shared>>)
        tpu.yield
      }) : () -> ()
    }
    %scan3A_9 = arith.constant 5 : i32
    %barrier3A = arith.constant 0 : index
    tpu.barrier barrier_id(%barrier3A)
    %dma_start3A = arith.constant 0 : i32
    %dma_start3A_10 = arith.constant 0 : i32
    %dma_start3A_11 = tpu.memref_slice %arg7[%dma_start3A, %dma_start3A_10] : memref<80x128xi32, #tpu.memory_space<vmem>> -> memref<1x128xi32, #tpu.memory_space<vmem>>
    %dma_start3A_12 = tpu.memref_squeeze %dma_start3A_11 : memref<1x128xi32, #tpu.memory_space<vmem>> -> memref<128xi32, #tpu.memory_space<vmem>>
    %dma_start3A_13 = arith.constant 0 : i32
    %dma_start3A_14 = arith.constant 0 : i32
    %dma_start3A_15 = tpu.memref_slice %arg2[%dma_start3A_13, %dma_start3A_14] : memref<10240x128xf32, #tpu.memory_space<hbm>> -> memref<10240x128xf32, #tpu.memory_space<hbm>>
    tpu.enqueue_indirect_dma source(%dma_start3A_15 : memref<10240x128xf32, #tpu.memory_space<hbm>>) target(%arg10 : memref<128x128xf32, #tpu.memory_space<vmem>>) offsets(%dma_start3A_12 : memref<128xi32, #tpu.memory_space<vmem>>) semaphore(%arg13 : memref<!tpu.dma_semaphore, #tpu.memory_space<semaphore_mem>>)
    "tpu.region"() ({
      %run_scoped3A = tpu.sem_alloc : memref<!tpu.dma_semaphore, #tpu.memory_space<semaphore_mem>>
      %dma_start3A_29 = arith.constant 0 : i32
      %dma_start3A_30 = tpu.memref_slice %arg4[%mul3A_4, %dma_start3A_29] : memref<2560x128xi32, #tpu.memory_space<hbm>> -> memref<1x128xi32, #tpu.memory_space<hbm>>
      %dma_start3A_31 = tpu.memref_squeeze %dma_start3A_30 : memref<1x128xi32, #tpu.memory_space<hbm>> -> memref<128xi32, #tpu.memory_space<hbm>>
      %dma_start3A_32 = arith.constant 0 : i32
      %dma_start3A_33 = tpu.memref_slice %arg4[%mul3A_4, %dma_start3A_32] : memref<2560x128xi32, #tpu.memory_space<hbm>> -> memref<1x128xi32, #tpu.memory_space<hbm>>
      %dma_start3A_34 = tpu.memref_squeeze %dma_start3A_33 : memref<1x128xi32, #tpu.memory_space<hbm>> -> memref<128xi32, #tpu.memory_space<hbm>>
      tpu.enqueue_dma source(%dma_start3A_34 : memref<128xi32, #tpu.memory_space<hbm>>) target(%arg8 : memref<128xi32, #tpu.memory_space<vmem>>) target_semaphore(%run_scoped3A : memref<!tpu.dma_semaphore, #tpu.memory_space<semaphore_mem>>)
      %dma_wait3A = arith.constant 0 : i32
      %dma_wait3A_35 = tpu.memref_slice %arg4[%mul3A_4, %dma_wait3A] : memref<2560x128xi32, #tpu.memory_space<hbm>> -> memref<1x128xi32, #tpu.memory_space<hbm>>
      %dma_wait3A_36 = tpu.memref_squeeze %dma_wait3A_35 : memref<1x128xi32, #tpu.memory_space<hbm>> -> memref<128xi32, #tpu.memory_space<hbm>>
      %dma_wait3A_37 = arith.constant 0 : i32
      %dma_wait3A_38 = tpu.memref_slice %arg4[%mul3A_4, %dma_wait3A_37] : memref<2560x128xi32, #tpu.memory_space<hbm>> -> memref<1x128xi32, #tpu.memory_space<hbm>>
      %dma_wait3A_39 = tpu.memref_squeeze %dma_wait3A_38 : memref<1x128xi32, #tpu.memory_space<hbm>> -> memref<128xi32, #tpu.memory_space<hbm>>
      tpu.wait_dma2 semaphore(%run_scoped3A : memref<!tpu.dma_semaphore, #tpu.memory_space<semaphore_mem>>) src(%dma_wait3A_39 : memref<128xi32, #tpu.memory_space<hbm>>) dst(%arg8 : memref<128xi32, #tpu.memory_space<vmem>>)
      tpu.yield
    }) : () -> ()
    %scan3A_16 = arith.constant 0 : i32
    %scan3A_17 = arith.constant 0 : i32
    %scan3A_18 = arith.constant 40 : i32
    %scan3A_19 = arith.addi %scan3A_17, %scan3A_18 : i32
    %scan3A_20 = arith.constant 1 : i32
    scf.for %scan3A_29 = %scan3A_17 to %scan3A_19 step %scan3A_20  : i32 {
      %mul3A_30 = arith.constant 2 : i32
      %mul3A_31 = arith.muli %mul3A_30, %scan3A_29 : i32
      %add3A_32 = arith.constant 1 : i32
      %add3A_33 = arith.addi %mul3A_31, %add3A_32 : i32
      %dma_start3A_34 = arith.constant 0 : i32
      %dma_start3A_35 = tpu.memref_slice %arg7[%add3A_33, %dma_start3A_34] : memref<80x128xi32, #tpu.memory_space<vmem>> -> memref<1x128xi32, #tpu.memory_space<vmem>>
      %dma_start3A_36 = tpu.memref_squeeze %dma_start3A_35 : memref<1x128xi32, #tpu.memory_space<vmem>> -> memref<128xi32, #tpu.memory_space<vmem>>
      %dma_start3A_37 = arith.constant 0 : i32
      %dma_start3A_38 = arith.constant 0 : i32
      %dma_start3A_39 = tpu.memref_slice %arg2[%dma_start3A_37, %dma_start3A_38] : memref<10240x128xf32, #tpu.memory_space<hbm>> -> memref<10240x128xf32, #tpu.memory_space<hbm>>
      tpu.enqueue_indirect_dma source(%dma_start3A_39 : memref<10240x128xf32, #tpu.memory_space<hbm>>) target(%arg11 : memref<128x128xf32, #tpu.memory_space<vmem>>) offsets(%dma_start3A_36 : memref<128xi32, #tpu.memory_space<vmem>>) semaphore(%arg14 : memref<!tpu.dma_semaphore, #tpu.memory_space<semaphore_mem>>)
      %add3A_40 = arith.addi %mul3A_4, %mul3A_31 : i32
      %add3A_41 = arith.constant 1 : i32
      %add3A_42 = arith.addi %add3A_40, %add3A_41 : i32
      "tpu.region"() ({
        %run_scoped3A = tpu.sem_alloc : memref<!tpu.dma_semaphore, #tpu.memory_space<semaphore_mem>>
        %dma_start3A_58 = arith.constant 0 : i32
        %dma_start3A_59 = tpu.memref_slice %arg4[%add3A_42, %dma_start3A_58] : memref<2560x128xi32, #tpu.memory_space<hbm>> -> memref<1x128xi32, #tpu.memory_space<hbm>>
        %dma_start3A_60 = tpu.memref_squeeze %dma_start3A_59 : memref<1x128xi32, #tpu.memory_space<hbm>> -> memref<128xi32, #tpu.memory_space<hbm>>
        %dma_start3A_61 = arith.constant 0 : i32
        %dma_start3A_62 = tpu.memref_slice %arg4[%add3A_42, %dma_start3A_61] : memref<2560x128xi32, #tpu.memory_space<hbm>> -> memref<1x128xi32, #tpu.memory_space<hbm>>
        %dma_start3A_63 = tpu.memref_squeeze %dma_start3A_62 : memref<1x128xi32, #tpu.memory_space<hbm>> -> memref<128xi32, #tpu.memory_space<hbm>>
        tpu.enqueue_dma source(%dma_start3A_63 : memref<128xi32, #tpu.memory_space<hbm>>) target(%arg9 : memref<128xi32, #tpu.memory_space<vmem>>) target_semaphore(%run_scoped3A : memref<!tpu.dma_semaphore, #tpu.memory_space<semaphore_mem>>)
        %dma_wait3A_64 = arith.constant 0 : i32
        %dma_wait3A_65 = tpu.memref_slice %arg4[%add3A_42, %dma_wait3A_64] : memref<2560x128xi32, #tpu.memory_space<hbm>> -> memref<1x128xi32, #tpu.memory_space<hbm>>
        %dma_wait3A_66 = tpu.memref_squeeze %dma_wait3A_65 : memref<1x128xi32, #tpu.memory_space<hbm>> -> memref<128xi32, #tpu.memory_space<hbm>>
        %dma_wait3A_67 = arith.constant 0 : i32
        %dma_wait3A_68 = tpu.memref_slice %arg4[%add3A_42, %dma_wait3A_67] : memref<2560x128xi32, #tpu.memory_space<hbm>> -> memref<1x128xi32, #tpu.memory_space<hbm>>
        %dma_wait3A_69 = tpu.memref_squeeze %dma_wait3A_68 : memref<1x128xi32, #tpu.memory_space<hbm>> -> memref<128xi32, #tpu.memory_space<hbm>>
        tpu.wait_dma2 semaphore(%run_scoped3A : memref<!tpu.dma_semaphore, #tpu.memory_space<semaphore_mem>>) src(%dma_wait3A_69 : memref<128xi32, #tpu.memory_space<hbm>>) dst(%arg9 : memref<128xi32, #tpu.memory_space<vmem>>)
        tpu.yield
      }) : () -> ()
      %dma_wait3A = arith.constant 0 : i32
      %dma_wait3A_43 = tpu.memref_slice %arg7[%mul3A_31, %dma_wait3A] : memref<80x128xi32, #tpu.memory_space<vmem>> -> memref<1x128xi32, #tpu.memory_space<vmem>>
      %dma_wait3A_44 = tpu.memref_squeeze %dma_wait3A_43 : memref<1x128xi32, #tpu.memory_space<vmem>> -> memref<128xi32, #tpu.memory_space<vmem>>
      %dma_wait3A_45 = arith.constant 0 : i32
      %dma_wait3A_46 = arith.constant 0 : i32
      %dma_wait3A_47 = tpu.memref_slice %arg2[%dma_wait3A_45, %dma_wait3A_46] : memref<10240x128xf32, #tpu.memory_space<hbm>> -> memref<10240x128xf32, #tpu.memory_space<hbm>>
      tpu.wait_indirect_dma semaphore(%arg13 : memref<!tpu.dma_semaphore, #tpu.memory_space<semaphore_mem>>) src(%dma_wait3A_47 : memref<10240x128xf32, #tpu.memory_space<hbm>>) dst(%arg10 : memref<128x128xf32, #tpu.memory_space<vmem>>)
      "tpu.region"() ({
        %run_scoped3A = tpu.sem_alloc : memref<!tpu.dma_semaphore, #tpu.memory_space<semaphore_mem>>
        %dma_start3A_58 = arith.constant 0 : i32
        %dma_start3A_59 = arith.constant 0 : i32
        %dma_start3A_60 = tpu.memref_slice %arg12[%dma_start3A_58, %dma_start3A_59] : memref<10240x128xf32, #tpu.memory_space<vmem_shared>> -> memref<10240x128xf32, #tpu.memory_space<vmem_shared>>
        tpu.enqueue_indirect_dma source(%arg10 : memref<128x128xf32, #tpu.memory_space<vmem>>) target(%dma_start3A_60 : memref<10240x128xf32, #tpu.memory_space<vmem_shared>>) offsets(%arg8 : memref<128xi32, #tpu.memory_space<vmem>>) semaphore(%run_scoped3A : memref<!tpu.dma_semaphore, #tpu.memory_space<semaphore_mem>>) {add = true}
        %dma_wait3A_61 = arith.constant 0 : i32
        %dma_wait3A_62 = arith.constant 0 : i32
        %dma_wait3A_63 = tpu.memref_slice %arg12[%dma_wait3A_61, %dma_wait3A_62] : memref<10240x128xf32, #tpu.memory_space<vmem_shared>> -> memref<10240x128xf32, #tpu.memory_space<vmem_shared>>
        tpu.wait_indirect_dma semaphore(%run_scoped3A : memref<!tpu.dma_semaphore, #tpu.memory_space<semaphore_mem>>) src(%arg10 : memref<128x128xf32, #tpu.memory_space<vmem>>) dst(%dma_wait3A_63 : memref<10240x128xf32, #tpu.memory_space<vmem_shared>>)
        tpu.yield
      }) : () -> ()
      %lt3A = arith.constant 39 : i32
      %lt3A_48 = arith.cmpi slt, %scan3A_29, %lt3A : i32
      %convert_element_type3A = arith.extui %lt3A_48 : i1 to i32
      %cond3A = arith.constant 0 : i32
      %cond3A_49 = arith.cmpi ne, %convert_element_type3A, %cond3A : i32
      scf.if %cond3A_49 {
        %add3A_58 = arith.constant 2 : i32
        %add3A_59 = arith.addi %mul3A_31, %add3A_58 : i32
        %dma_start3A_60 = arith.constant 0 : i32
        %dma_start3A_61 = tpu.memref_slice %arg7[%add3A_59, %dma_start3A_60] : memref<80x128xi32, #tpu.memory_space<vmem>> -> memref<1x128xi32, #tpu.memory_space<vmem>>
        %dma_start3A_62 = tpu.memref_squeeze %dma_start3A_61 : memref<1x128xi32, #tpu.memory_space<vmem>> -> memref<128xi32, #tpu.memory_space<vmem>>
        %dma_start3A_63 = arith.constant 0 : i32
        %dma_start3A_64 = arith.constant 0 : i32
        %dma_start3A_65 = tpu.memref_slice %arg2[%dma_start3A_63, %dma_start3A_64] : memref<10240x128xf32, #tpu.memory_space<hbm>> -> memref<10240x128xf32, #tpu.memory_space<hbm>>
        tpu.enqueue_indirect_dma source(%dma_start3A_65 : memref<10240x128xf32, #tpu.memory_space<hbm>>) target(%arg10 : memref<128x128xf32, #tpu.memory_space<vmem>>) offsets(%dma_start3A_62 : memref<128xi32, #tpu.memory_space<vmem>>) semaphore(%arg13 : memref<!tpu.dma_semaphore, #tpu.memory_space<semaphore_mem>>)
        %add3A_66 = arith.addi %mul3A_4, %mul3A_31 : i32
        %add3A_67 = arith.constant 2 : i32
        %add3A_68 = arith.addi %add3A_66, %add3A_67 : i32
        "tpu.region"() ({
          %run_scoped3A = tpu.sem_alloc : memref<!tpu.dma_semaphore, #tpu.memory_space<semaphore_mem>>
          %dma_start3A_69 = arith.constant 0 : i32
          %dma_start3A_70 = tpu.memref_slice %arg4[%add3A_68, %dma_start3A_69] : memref<2560x128xi32, #tpu.memory_space<hbm>> -> memref<1x128xi32, #tpu.memory_space<hbm>>
          %dma_start3A_71 = tpu.memref_squeeze %dma_start3A_70 : memref<1x128xi32, #tpu.memory_space<hbm>> -> memref<128xi32, #tpu.memory_space<hbm>>
          %dma_start3A_72 = arith.constant 0 : i32
          %dma_start3A_73 = tpu.memref_slice %arg4[%add3A_68, %dma_start3A_72] : memref<2560x128xi32, #tpu.memory_space<hbm>> -> memref<1x128xi32, #tpu.memory_space<hbm>>
          %dma_start3A_74 = tpu.memref_squeeze %dma_start3A_73 : memref<1x128xi32, #tpu.memory_space<hbm>> -> memref<128xi32, #tpu.memory_space<hbm>>
          tpu.enqueue_dma source(%dma_start3A_74 : memref<128xi32, #tpu.memory_space<hbm>>) target(%arg8 : memref<128xi32, #tpu.memory_space<vmem>>) target_semaphore(%run_scoped3A : memref<!tpu.dma_semaphore, #tpu.memory_space<semaphore_mem>>)
          %dma_wait3A_75 = arith.constant 0 : i32
          %dma_wait3A_76 = tpu.memref_slice %arg4[%add3A_68, %dma_wait3A_75] : memref<2560x128xi32, #tpu.memory_space<hbm>> -> memref<1x128xi32, #tpu.memory_space<hbm>>
          %dma_wait3A_77 = tpu.memref_squeeze %dma_wait3A_76 : memref<1x128xi32, #tpu.memory_space<hbm>> -> memref<128xi32, #tpu.memory_space<hbm>>
          %dma_wait3A_78 = arith.constant 0 : i32
          %dma_wait3A_79 = tpu.memref_slice %arg4[%add3A_68, %dma_wait3A_78] : memref<2560x128xi32, #tpu.memory_space<hbm>> -> memref<1x128xi32, #tpu.memory_space<hbm>>
          %dma_wait3A_80 = tpu.memref_squeeze %dma_wait3A_79 : memref<1x128xi32, #tpu.memory_space<hbm>> -> memref<128xi32, #tpu.memory_space<hbm>>
          tpu.wait_dma2 semaphore(%run_scoped3A : memref<!tpu.dma_semaphore, #tpu.memory_space<semaphore_mem>>) src(%dma_wait3A_80 : memref<128xi32, #tpu.memory_space<hbm>>) dst(%arg8 : memref<128xi32, #tpu.memory_space<vmem>>)
          tpu.yield
        }) : () -> ()
      } else {
      }
      %add3A_50 = arith.constant 1 : i32
      %add3A_51 = arith.addi %mul3A_31, %add3A_50 : i32
      %dma_wait3A_52 = arith.constant 0 : i32
      %dma_wait3A_53 = tpu.memref_slice %arg7[%add3A_51, %dma_wait3A_52] : memref<80x128xi32, #tpu.memory_space<vmem>> -> memref<1x128xi32, #tpu.memory_space<vmem>>
      %dma_wait3A_54 = tpu.memref_squeeze %dma_wait3A_53 : memref<1x128xi32, #tpu.memory_space<vmem>> -> memref<128xi32, #tpu.memory_space<vmem>>
      %dma_wait3A_55 = arith.constant 0 : i32
      %dma_wait3A_56 = arith.constant 0 : i32
      %dma_wait3A_57 = tpu.memref_slice %arg2[%dma_wait3A_55, %dma_wait3A_56] : memref<10240x128xf32, #tpu.memory_space<hbm>> -> memref<10240x128xf32, #tpu.memory_space<hbm>>
      tpu.wait_indirect_dma semaphore(%arg14 : memref<!tpu.dma_semaphore, #tpu.memory_space<semaphore_mem>>) src(%dma_wait3A_57 : memref<10240x128xf32, #tpu.memory_space<hbm>>) dst(%arg11 : memref<128x128xf32, #tpu.memory_space<vmem>>)
      "tpu.region"() ({
        %run_scoped3A = tpu.sem_alloc : memref<!tpu.dma_semaphore, #tpu.memory_space<semaphore_mem>>
        %dma_start3A_58 = arith.constant 0 : i32
        %dma_start3A_59 = arith.constant 0 : i32
        %dma_start3A_60 = tpu.memref_slice %arg12[%dma_start3A_58, %dma_start3A_59] : memref<10240x128xf32, #tpu.memory_space<vmem_shared>> -> memref<10240x128xf32, #tpu.memory_space<vmem_shared>>
        tpu.enqueue_indirect_dma source(%arg11 : memref<128x128xf32, #tpu.memory_space<vmem>>) target(%dma_start3A_60 : memref<10240x128xf32, #tpu.memory_space<vmem_shared>>) offsets(%arg9 : memref<128xi32, #tpu.memory_space<vmem>>) semaphore(%run_scoped3A : memref<!tpu.dma_semaphore, #tpu.memory_space<semaphore_mem>>) {add = true}
        %dma_wait3A_61 = arith.constant 0 : i32
        %dma_wait3A_62 = arith.constant 0 : i32
        %dma_wait3A_63 = tpu.memref_slice %arg12[%dma_wait3A_61, %dma_wait3A_62] : memref<10240x128xf32, #tpu.memory_space<vmem_shared>> -> memref<10240x128xf32, #tpu.memory_space<vmem_shared>>
        tpu.wait_indirect_dma semaphore(%run_scoped3A : memref<!tpu.dma_semaphore, #tpu.memory_space<semaphore_mem>>) src(%arg11 : memref<128x128xf32, #tpu.memory_space<vmem>>) dst(%dma_wait3A_63 : memref<10240x128xf32, #tpu.memory_space<vmem_shared>>)
        tpu.yield
      }) : () -> ()
    }
    %scan3A_21 = arith.constant 40 : i32
    %barrier3A_22 = arith.constant 0 : index
    tpu.barrier barrier_id(%barrier3A_22)
    %scan3A_23 = arith.constant 0 : i32
    %scan3A_24 = arith.constant 0 : i32
    %scan3A_25 = arith.constant 5 : i32
    %scan3A_26 = arith.addi %scan3A_24, %scan3A_25 : i32
    %scan3A_27 = arith.constant 1 : i32
    scf.for %scan3A_29 = %scan3A_24 to %scan3A_26 step %scan3A_27  : i32 {
      %mul3A_30 = arith.constant 128 : i32
      %mul3A_31 = arith.muli %scan3A_29, %mul3A_30 : i32
      %add3A_32 = arith.addi %mul3A_2, %mul3A_31 : i32
      "tpu.region"() ({
        %run_scoped3A = tpu.sem_alloc : memref<!tpu.dma_semaphore, #tpu.memory_space<semaphore_mem>>
        %dma_start3A_33 = arith.constant 0 : i32
        %dma_start3A_34 = tpu.memref_slice %arg12[%add3A_32, %dma_start3A_33] : memref<10240x128xf32, #tpu.memory_space<vmem_shared>> -> memref<128x128xf32, #tpu.memory_space<vmem_shared>>
        %dma_start3A_35 = arith.constant 0 : i32
        %dma_start3A_36 = tpu.memref_slice %arg12[%add3A_32, %dma_start3A_35] : memref<10240x128xf32, #tpu.memory_space<vmem_shared>> -> memref<128x128xf32, #tpu.memory_space<vmem_shared>>
        tpu.enqueue_dma source(%dma_start3A_36 : memref<128x128xf32, #tpu.memory_space<vmem_shared>>) target(%arg10 : memref<128x128xf32, #tpu.memory_space<vmem>>) target_semaphore(%run_scoped3A : memref<!tpu.dma_semaphore, #tpu.memory_space<semaphore_mem>>)
        %dma_wait3A = arith.constant 0 : i32
        %dma_wait3A_37 = tpu.memref_slice %arg12[%add3A_32, %dma_wait3A] : memref<10240x128xf32, #tpu.memory_space<vmem_shared>> -> memref<128x128xf32, #tpu.memory_space<vmem_shared>>
        %dma_wait3A_38 = arith.constant 0 : i32
        %dma_wait3A_39 = tpu.memref_slice %arg12[%add3A_32, %dma_wait3A_38] : memref<10240x128xf32, #tpu.memory_space<vmem_shared>> -> memref<128x128xf32, #tpu.memory_space<vmem_shared>>
        tpu.wait_dma2 semaphore(%run_scoped3A : memref<!tpu.dma_semaphore, #tpu.memory_space<semaphore_mem>>) src(%dma_wait3A_39 : memref<128x128xf32, #tpu.memory_space<vmem_shared>>) dst(%arg10 : memref<128x128xf32, #tpu.memory_space<vmem>>)
        tpu.yield
      }) : () -> ()
      "tpu.region"() ({
        %run_scoped3A = tpu.sem_alloc : memref<!tpu.dma_semaphore, #tpu.memory_space<semaphore_mem>>
        %dma_start3A_33 = arith.constant 0 : i32
        %dma_start3A_34 = tpu.memref_slice %arg6[%arg0, %add3A_32, %dma_start3A_33] : memref<2x10240x128xf32, #tpu.memory_space<hbm>> -> memref<1x128x128xf32, #tpu.memory_space<hbm>>
        %dma_start3A_35 = tpu.memref_squeeze %dma_start3A_34 : memref<1x128x128xf32, #tpu.memory_space<hbm>> -> memref<128x128xf32, #tpu.memory_space<hbm>>
        %dma_start3A_36 = arith.constant 0 : i32
        %dma_start3A_37 = tpu.memref_slice %arg6[%arg0, %add3A_32, %dma_start3A_36] : memref<2x10240x128xf32, #tpu.memory_space<hbm>> -> memref<1x128x128xf32, #tpu.memory_space<hbm>>
        %dma_start3A_38 = tpu.memref_squeeze %dma_start3A_37 : memref<1x128x128xf32, #tpu.memory_space<hbm>> -> memref<128x128xf32, #tpu.memory_space<hbm>>
        tpu.enqueue_dma source(%arg10 : memref<128x128xf32, #tpu.memory_space<vmem>>) target(%dma_start3A_38 : memref<128x128xf32, #tpu.memory_space<hbm>>) target_semaphore(%run_scoped3A : memref<!tpu.dma_semaphore, #tpu.memory_space<semaphore_mem>>)
        %dma_wait3A = arith.constant 0 : i32
        %dma_wait3A_39 = tpu.memref_slice %arg6[%arg0, %add3A_32, %dma_wait3A] : memref<2x10240x128xf32, #tpu.memory_space<hbm>> -> memref<1x128x128xf32, #tpu.memory_space<hbm>>
        %dma_wait3A_40 = tpu.memref_squeeze %dma_wait3A_39 : memref<1x128x128xf32, #tpu.memory_space<hbm>> -> memref<128x128xf32, #tpu.memory_space<hbm>>
        %dma_wait3A_41 = arith.constant 0 : i32
        %dma_wait3A_42 = tpu.memref_slice %arg6[%arg0, %add3A_32, %dma_wait3A_41] : memref<2x10240x128xf32, #tpu.memory_space<hbm>> -> memref<1x128x128xf32, #tpu.memory_space<hbm>>
        %dma_wait3A_43 = tpu.memref_squeeze %dma_wait3A_42 : memref<1x128x128xf32, #tpu.memory_space<hbm>> -> memref<128x128xf32, #tpu.memory_space<hbm>>
        tpu.wait_dma2 semaphore(%run_scoped3A : memref<!tpu.dma_semaphore, #tpu.memory_space<semaphore_mem>>) src(%arg10 : memref<128x128xf32, #tpu.memory_space<vmem>>) dst(%dma_wait3A_43 : memref<128x128xf32, #tpu.memory_space<hbm>>)
        tpu.yield
      }) : () -> ()
    }
    %scan3A_28 = arith.constant 5 : i32
    return
  }
}

#map = affine_map<(d0, d1) -> (0, 0)>
#map1 = affine_map<(d0, d1) -> (0, 0, 0)>
module attributes {stable_mosaic.version = 14 : i64} {
  func.func @k(%arg0: i32, %arg1: i32, %arg2: memref<10240x64xf32, #tpu.memory_space<hbm>>, %arg3: memref<2560x128xi32, #tpu.memory_space<hbm>>, %arg4: memref<2560x128xi32, #tpu.memory_space<hbm>>, %arg5: memref<128x64xf32, #tpu.memory_space<hbm>>, %arg6: memref<2x10240x64xf32, #tpu.memory_space<hbm>>, %arg7: memref<80x128xi32, #tpu.memory_space<vmem>>, %arg8: memref<128xi32, #tpu.memory_space<vmem>>, %arg9: memref<128xi32, #tpu.memory_space<vmem>>, %arg10: memref<128x64xf32, #tpu.memory_space<vmem>>, %arg11: memref<128x64xf32, #tpu.memory_space<vmem>>, %arg12: memref<10240x64xf32, #tpu.memory_space<vmem_shared>>, %arg13: memref<!tpu.dma_semaphore, #tpu.memory_space<semaphore_mem>>, %arg14: memref<!tpu.dma_semaphore, #tpu.memory_space<semaphore_mem>>) attributes {dimension_semantics = [#tpu.dimension_semantics<core_parallel>, #tpu.dimension_semantics<subcore_parallel>], iteration_bounds = array<i64: 2, 16>, scalar_prefetch = 0 : i64, scratch_operands = 8 : i64, tpu.core_type = #tpu.core_type<sc_vector_subcore>, window_params = [{transform_indices = #map}, {transform_indices = #map}, {transform_indices = #map}, {transform_indices = #map}, {transform_indices = #map1}]} {
    %mul3A = arith.constant 16 : i32
    %mul3A_0 = arith.muli %arg0, %mul3A : i32
    %add3A = arith.addi %mul3A_0, %arg1 : i32
    %mul3A_1 = arith.constant 640 : i32
    %mul3A_2 = arith.muli %arg1, %mul3A_1 : i32
    %mul3A_3 = arith.constant 80 : i32
    %mul3A_4 = arith.muli %add3A, %mul3A_3 : i32
    "tpu.region"() ({
      %run_scoped3A = tpu.sem_alloc : memref<!tpu.dma_semaphore, #tpu.memory_space<semaphore_mem>>
      %dma_start3A_29 = arith.constant 0 : i32
      %dma_start3A_30 = tpu.memref_slice %arg3[%mul3A_4, %dma_start3A_29] : memref<2560x128xi32, #tpu.memory_space<hbm>> -> memref<80x128xi32, #tpu.memory_space<hbm>>
      %dma_start3A_31 = arith.constant 0 : i32
      %dma_start3A_32 = tpu.memref_slice %arg3[%mul3A_4, %dma_start3A_31] : memref<2560x128xi32, #tpu.memory_space<hbm>> -> memref<80x128xi32, #tpu.memory_space<hbm>>
      tpu.enqueue_dma source(%dma_start3A_32 : memref<80x128xi32, #tpu.memory_space<hbm>>) target(%arg7 : memref<80x128xi32, #tpu.memory_space<vmem>>) target_semaphore(%run_scoped3A : memref<!tpu.dma_semaphore, #tpu.memory_space<semaphore_mem>>)
      %dma_wait3A = arith.constant 0 : i32
      %dma_wait3A_33 = tpu.memref_slice %arg3[%mul3A_4, %dma_wait3A] : memref<2560x128xi32, #tpu.memory_space<hbm>> -> memref<80x128xi32, #tpu.memory_space<hbm>>
      %dma_wait3A_34 = arith.constant 0 : i32
      %dma_wait3A_35 = tpu.memref_slice %arg3[%mul3A_4, %dma_wait3A_34] : memref<2560x128xi32, #tpu.memory_space<hbm>> -> memref<80x128xi32, #tpu.memory_space<hbm>>
      tpu.wait_dma2 semaphore(%run_scoped3A : memref<!tpu.dma_semaphore, #tpu.memory_space<semaphore_mem>>) src(%dma_wait3A_35 : memref<80x128xi32, #tpu.memory_space<hbm>>) dst(%arg7 : memref<80x128xi32, #tpu.memory_space<vmem>>)
      tpu.yield
    }) : () -> ()
    "tpu.region"() ({
      %run_scoped3A = tpu.sem_alloc : memref<!tpu.dma_semaphore, #tpu.memory_space<semaphore_mem>>
      tpu.enqueue_dma source(%arg5 : memref<128x64xf32, #tpu.memory_space<hbm>>) target(%arg10 : memref<128x64xf32, #tpu.memory_space<vmem>>) target_semaphore(%run_scoped3A : memref<!tpu.dma_semaphore, #tpu.memory_space<semaphore_mem>>)
      tpu.wait_dma2 semaphore(%run_scoped3A : memref<!tpu.dma_semaphore, #tpu.memory_space<semaphore_mem>>) src(%arg5 : memref<128x64xf32, #tpu.memory_space<hbm>>) dst(%arg10 : memref<128x64xf32, #tpu.memory_space<vmem>>)
      tpu.yield
    }) : () -> ()
    %scan3A = arith.constant 0 : i32
    %scan3A_5 = arith.constant 0 : i32
    %scan3A_6 = arith.constant 5 : i32
    %scan3A_7 = arith.addi %scan3A_5, %scan3A_6 : i32
    %scan3A_8 = arith.constant 1 : i32
    scf.for %scan3A_29 = %scan3A_5 to %scan3A_7 step %scan3A_8  : i32 {
      %mul3A_30 = arith.constant 128 : i32
      %mul3A_31 = arith.muli %scan3A_29, %mul3A_30 : i32
      %add3A_32 = arith.addi %mul3A_2, %mul3A_31 : i32
      "tpu.region"() ({
        %run_scoped3A = tpu.sem_alloc : memref<!tpu.dma_semaphore, #tpu.memory_space<semaphore_mem>>
        %dma_start3A_33 = arith.constant 0 : i32
        %dma_start3A_34 = tpu.memref_slice %arg12[%add3A_32, %dma_start3A_33] : memref<10240x64xf32, #tpu.memory_space<vmem_shared>> -> memref<128x64xf32, #tpu.memory_space<vmem_shared>>
        %dma_start3A_35 = arith.constant 0 : i32
        %dma_start3A_36 = tpu.memref_slice %arg12[%add3A_32, %dma_start3A_35] : memref<10240x64xf32, #tpu.memory_space<vmem_shared>> -> memref<128x64xf32, #tpu.memory_space<vmem_shared>>
        tpu.enqueue_dma source(%arg10 : memref<128x64xf32, #tpu.memory_space<vmem>>) target(%dma_start3A_36 : memref<128x64xf32, #tpu.memory_space<vmem_shared>>) target_semaphore(%run_scoped3A : memref<!tpu.dma_semaphore, #tpu.memory_space<semaphore_mem>>)
        %dma_wait3A = arith.constant 0 : i32
        %dma_wait3A_37 = tpu.memref_slice %arg12[%add3A_32, %dma_wait3A] : memref<10240x64xf32, #tpu.memory_space<vmem_shared>> -> memref<128x64xf32, #tpu.memory_space<vmem_shared>>
        %dma_wait3A_38 = arith.constant 0 : i32
        %dma_wait3A_39 = tpu.memref_slice %arg12[%add3A_32, %dma_wait3A_38] : memref<10240x64xf32, #tpu.memory_space<vmem_shared>> -> memref<128x64xf32, #tpu.memory_space<vmem_shared>>
        tpu.wait_dma2 semaphore(%run_scoped3A : memref<!tpu.dma_semaphore, #tpu.memory_space<semaphore_mem>>) src(%arg10 : memref<128x64xf32, #tpu.memory_space<vmem>>) dst(%dma_wait3A_39 : memref<128x64xf32, #tpu.memory_space<vmem_shared>>)
        tpu.yield
      }) : () -> ()
    }
    %scan3A_9 = arith.constant 5 : i32
    %barrier3A = arith.constant 0 : index
    tpu.barrier barrier_id(%barrier3A)
    %dma_start3A = arith.constant 0 : i32
    %dma_start3A_10 = arith.constant 0 : i32
    %dma_start3A_11 = tpu.memref_slice %arg7[%dma_start3A, %dma_start3A_10] : memref<80x128xi32, #tpu.memory_space<vmem>> -> memref<1x128xi32, #tpu.memory_space<vmem>>
    %dma_start3A_12 = tpu.memref_squeeze %dma_start3A_11 : memref<1x128xi32, #tpu.memory_space<vmem>> -> memref<128xi32, #tpu.memory_space<vmem>>
    %dma_start3A_13 = arith.constant 0 : i32
    %dma_start3A_14 = arith.constant 0 : i32
    %dma_start3A_15 = tpu.memref_slice %arg2[%dma_start3A_13, %dma_start3A_14] : memref<10240x64xf32, #tpu.memory_space<hbm>> -> memref<10240x64xf32, #tpu.memory_space<hbm>>
    tpu.enqueue_indirect_dma source(%dma_start3A_15 : memref<10240x64xf32, #tpu.memory_space<hbm>>) target(%arg10 : memref<128x64xf32, #tpu.memory_space<vmem>>) offsets(%dma_start3A_12 : memref<128xi32, #tpu.memory_space<vmem>>) semaphore(%arg13 : memref<!tpu.dma_semaphore, #tpu.memory_space<semaphore_mem>>)
    "tpu.region"() ({
      %run_scoped3A = tpu.sem_alloc : memref<!tpu.dma_semaphore, #tpu.memory_space<semaphore_mem>>
      %dma_start3A_29 = arith.constant 0 : i32
      %dma_start3A_30 = tpu.memref_slice %arg4[%mul3A_4, %dma_start3A_29] : memref<2560x128xi32, #tpu.memory_space<hbm>> -> memref<1x128xi32, #tpu.memory_space<hbm>>
      %dma_start3A_31 = tpu.memref_squeeze %dma_start3A_30 : memref<1x128xi32, #tpu.memory_space<hbm>> -> memref<128xi32, #tpu.memory_space<hbm>>
      %dma_start3A_32 = arith.constant 0 : i32
      %dma_start3A_33 = tpu.memref_slice %arg4[%mul3A_4, %dma_start3A_32] : memref<2560x128xi32, #tpu.memory_space<hbm>> -> memref<1x128xi32, #tpu.memory_space<hbm>>
      %dma_start3A_34 = tpu.memref_squeeze %dma_start3A_33 : memref<1x128xi32, #tpu.memory_space<hbm>> -> memref<128xi32, #tpu.memory_space<hbm>>
      tpu.enqueue_dma source(%dma_start3A_34 : memref<128xi32, #tpu.memory_space<hbm>>) target(%arg8 : memref<128xi32, #tpu.memory_space<vmem>>) target_semaphore(%run_scoped3A : memref<!tpu.dma_semaphore, #tpu.memory_space<semaphore_mem>>)
      %dma_wait3A = arith.constant 0 : i32
      %dma_wait3A_35 = tpu.memref_slice %arg4[%mul3A_4, %dma_wait3A] : memref<2560x128xi32, #tpu.memory_space<hbm>> -> memref<1x128xi32, #tpu.memory_space<hbm>>
      %dma_wait3A_36 = tpu.memref_squeeze %dma_wait3A_35 : memref<1x128xi32, #tpu.memory_space<hbm>> -> memref<128xi32, #tpu.memory_space<hbm>>
      %dma_wait3A_37 = arith.constant 0 : i32
      %dma_wait3A_38 = tpu.memref_slice %arg4[%mul3A_4, %dma_wait3A_37] : memref<2560x128xi32, #tpu.memory_space<hbm>> -> memref<1x128xi32, #tpu.memory_space<hbm>>
      %dma_wait3A_39 = tpu.memref_squeeze %dma_wait3A_38 : memref<1x128xi32, #tpu.memory_space<hbm>> -> memref<128xi32, #tpu.memory_space<hbm>>
      tpu.wait_dma2 semaphore(%run_scoped3A : memref<!tpu.dma_semaphore, #tpu.memory_space<semaphore_mem>>) src(%dma_wait3A_39 : memref<128xi32, #tpu.memory_space<hbm>>) dst(%arg8 : memref<128xi32, #tpu.memory_space<vmem>>)
      tpu.yield
    }) : () -> ()
    %scan3A_16 = arith.constant 0 : i32
    %scan3A_17 = arith.constant 0 : i32
    %scan3A_18 = arith.constant 40 : i32
    %scan3A_19 = arith.addi %scan3A_17, %scan3A_18 : i32
    %scan3A_20 = arith.constant 1 : i32
    scf.for %scan3A_29 = %scan3A_17 to %scan3A_19 step %scan3A_20  : i32 {
      %mul3A_30 = arith.constant 2 : i32
      %mul3A_31 = arith.muli %mul3A_30, %scan3A_29 : i32
      %add3A_32 = arith.constant 1 : i32
      %add3A_33 = arith.addi %mul3A_31, %add3A_32 : i32
      %dma_start3A_34 = arith.constant 0 : i32
      %dma_start3A_35 = tpu.memref_slice %arg7[%add3A_33, %dma_start3A_34] : memref<80x128xi32, #tpu.memory_space<vmem>> -> memref<1x128xi32, #tpu.memory_space<vmem>>
      %dma_start3A_36 = tpu.memref_squeeze %dma_start3A_35 : memref<1x128xi32, #tpu.memory_space<vmem>> -> memref<128xi32, #tpu.memory_space<vmem>>
      %dma_start3A_37 = arith.constant 0 : i32
      %dma_start3A_38 = arith.constant 0 : i32
      %dma_start3A_39 = tpu.memref_slice %arg2[%dma_start3A_37, %dma_start3A_38] : memref<10240x64xf32, #tpu.memory_space<hbm>> -> memref<10240x64xf32, #tpu.memory_space<hbm>>
      tpu.enqueue_indirect_dma source(%dma_start3A_39 : memref<10240x64xf32, #tpu.memory_space<hbm>>) target(%arg11 : memref<128x64xf32, #tpu.memory_space<vmem>>) offsets(%dma_start3A_36 : memref<128xi32, #tpu.memory_space<vmem>>) semaphore(%arg14 : memref<!tpu.dma_semaphore, #tpu.memory_space<semaphore_mem>>)
      %add3A_40 = arith.addi %mul3A_4, %mul3A_31 : i32
      %add3A_41 = arith.constant 1 : i32
      %add3A_42 = arith.addi %add3A_40, %add3A_41 : i32
      "tpu.region"() ({
        %run_scoped3A = tpu.sem_alloc : memref<!tpu.dma_semaphore, #tpu.memory_space<semaphore_mem>>
        %dma_start3A_58 = arith.constant 0 : i32
        %dma_start3A_59 = tpu.memref_slice %arg4[%add3A_42, %dma_start3A_58] : memref<2560x128xi32, #tpu.memory_space<hbm>> -> memref<1x128xi32, #tpu.memory_space<hbm>>
        %dma_start3A_60 = tpu.memref_squeeze %dma_start3A_59 : memref<1x128xi32, #tpu.memory_space<hbm>> -> memref<128xi32, #tpu.memory_space<hbm>>
        %dma_start3A_61 = arith.constant 0 : i32
        %dma_start3A_62 = tpu.memref_slice %arg4[%add3A_42, %dma_start3A_61] : memref<2560x128xi32, #tpu.memory_space<hbm>> -> memref<1x128xi32, #tpu.memory_space<hbm>>
        %dma_start3A_63 = tpu.memref_squeeze %dma_start3A_62 : memref<1x128xi32, #tpu.memory_space<hbm>> -> memref<128xi32, #tpu.memory_space<hbm>>
        tpu.enqueue_dma source(%dma_start3A_63 : memref<128xi32, #tpu.memory_space<hbm>>) target(%arg9 : memref<128xi32, #tpu.memory_space<vmem>>) target_semaphore(%run_scoped3A : memref<!tpu.dma_semaphore, #tpu.memory_space<semaphore_mem>>)
        %dma_wait3A_64 = arith.constant 0 : i32
        %dma_wait3A_65 = tpu.memref_slice %arg4[%add3A_42, %dma_wait3A_64] : memref<2560x128xi32, #tpu.memory_space<hbm>> -> memref<1x128xi32, #tpu.memory_space<hbm>>
        %dma_wait3A_66 = tpu.memref_squeeze %dma_wait3A_65 : memref<1x128xi32, #tpu.memory_space<hbm>> -> memref<128xi32, #tpu.memory_space<hbm>>
        %dma_wait3A_67 = arith.constant 0 : i32
        %dma_wait3A_68 = tpu.memref_slice %arg4[%add3A_42, %dma_wait3A_67] : memref<2560x128xi32, #tpu.memory_space<hbm>> -> memref<1x128xi32, #tpu.memory_space<hbm>>
        %dma_wait3A_69 = tpu.memref_squeeze %dma_wait3A_68 : memref<1x128xi32, #tpu.memory_space<hbm>> -> memref<128xi32, #tpu.memory_space<hbm>>
        tpu.wait_dma2 semaphore(%run_scoped3A : memref<!tpu.dma_semaphore, #tpu.memory_space<semaphore_mem>>) src(%dma_wait3A_69 : memref<128xi32, #tpu.memory_space<hbm>>) dst(%arg9 : memref<128xi32, #tpu.memory_space<vmem>>)
        tpu.yield
      }) : () -> ()
      %dma_wait3A = arith.constant 0 : i32
      %dma_wait3A_43 = tpu.memref_slice %arg7[%mul3A_31, %dma_wait3A] : memref<80x128xi32, #tpu.memory_space<vmem>> -> memref<1x128xi32, #tpu.memory_space<vmem>>
      %dma_wait3A_44 = tpu.memref_squeeze %dma_wait3A_43 : memref<1x128xi32, #tpu.memory_space<vmem>> -> memref<128xi32, #tpu.memory_space<vmem>>
      %dma_wait3A_45 = arith.constant 0 : i32
      %dma_wait3A_46 = arith.constant 0 : i32
      %dma_wait3A_47 = tpu.memref_slice %arg2[%dma_wait3A_45, %dma_wait3A_46] : memref<10240x64xf32, #tpu.memory_space<hbm>> -> memref<10240x64xf32, #tpu.memory_space<hbm>>
      tpu.wait_indirect_dma semaphore(%arg13 : memref<!tpu.dma_semaphore, #tpu.memory_space<semaphore_mem>>) src(%dma_wait3A_47 : memref<10240x64xf32, #tpu.memory_space<hbm>>) dst(%arg10 : memref<128x64xf32, #tpu.memory_space<vmem>>)
      "tpu.region"() ({
        %run_scoped3A = tpu.sem_alloc : memref<!tpu.dma_semaphore, #tpu.memory_space<semaphore_mem>>
        %dma_start3A_58 = arith.constant 0 : i32
        %dma_start3A_59 = arith.constant 0 : i32
        %dma_start3A_60 = tpu.memref_slice %arg12[%dma_start3A_58, %dma_start3A_59] : memref<10240x64xf32, #tpu.memory_space<vmem_shared>> -> memref<10240x64xf32, #tpu.memory_space<vmem_shared>>
        tpu.enqueue_indirect_dma source(%arg10 : memref<128x64xf32, #tpu.memory_space<vmem>>) target(%dma_start3A_60 : memref<10240x64xf32, #tpu.memory_space<vmem_shared>>) offsets(%arg8 : memref<128xi32, #tpu.memory_space<vmem>>) semaphore(%run_scoped3A : memref<!tpu.dma_semaphore, #tpu.memory_space<semaphore_mem>>) {add = true}
        %dma_wait3A_61 = arith.constant 0 : i32
        %dma_wait3A_62 = arith.constant 0 : i32
        %dma_wait3A_63 = tpu.memref_slice %arg12[%dma_wait3A_61, %dma_wait3A_62] : memref<10240x64xf32, #tpu.memory_space<vmem_shared>> -> memref<10240x64xf32, #tpu.memory_space<vmem_shared>>
        tpu.wait_indirect_dma semaphore(%run_scoped3A : memref<!tpu.dma_semaphore, #tpu.memory_space<semaphore_mem>>) src(%arg10 : memref<128x64xf32, #tpu.memory_space<vmem>>) dst(%dma_wait3A_63 : memref<10240x64xf32, #tpu.memory_space<vmem_shared>>)
        tpu.yield
      }) : () -> ()
      %lt3A = arith.constant 39 : i32
      %lt3A_48 = arith.cmpi slt, %scan3A_29, %lt3A : i32
      %convert_element_type3A = arith.extui %lt3A_48 : i1 to i32
      %cond3A = arith.constant 0 : i32
      %cond3A_49 = arith.cmpi ne, %convert_element_type3A, %cond3A : i32
      scf.if %cond3A_49 {
        %add3A_58 = arith.constant 2 : i32
        %add3A_59 = arith.addi %mul3A_31, %add3A_58 : i32
        %dma_start3A_60 = arith.constant 0 : i32
        %dma_start3A_61 = tpu.memref_slice %arg7[%add3A_59, %dma_start3A_60] : memref<80x128xi32, #tpu.memory_space<vmem>> -> memref<1x128xi32, #tpu.memory_space<vmem>>
        %dma_start3A_62 = tpu.memref_squeeze %dma_start3A_61 : memref<1x128xi32, #tpu.memory_space<vmem>> -> memref<128xi32, #tpu.memory_space<vmem>>
        %dma_start3A_63 = arith.constant 0 : i32
        %dma_start3A_64 = arith.constant 0 : i32
        %dma_start3A_65 = tpu.memref_slice %arg2[%dma_start3A_63, %dma_start3A_64] : memref<10240x64xf32, #tpu.memory_space<hbm>> -> memref<10240x64xf32, #tpu.memory_space<hbm>>
        tpu.enqueue_indirect_dma source(%dma_start3A_65 : memref<10240x64xf32, #tpu.memory_space<hbm>>) target(%arg10 : memref<128x64xf32, #tpu.memory_space<vmem>>) offsets(%dma_start3A_62 : memref<128xi32, #tpu.memory_space<vmem>>) semaphore(%arg13 : memref<!tpu.dma_semaphore, #tpu.memory_space<semaphore_mem>>)
        %add3A_66 = arith.addi %mul3A_4, %mul3A_31 : i32
        %add3A_67 = arith.constant 2 : i32
        %add3A_68 = arith.addi %add3A_66, %add3A_67 : i32
        "tpu.region"() ({
          %run_scoped3A = tpu.sem_alloc : memref<!tpu.dma_semaphore, #tpu.memory_space<semaphore_mem>>
          %dma_start3A_69 = arith.constant 0 : i32
          %dma_start3A_70 = tpu.memref_slice %arg4[%add3A_68, %dma_start3A_69] : memref<2560x128xi32, #tpu.memory_space<hbm>> -> memref<1x128xi32, #tpu.memory_space<hbm>>
          %dma_start3A_71 = tpu.memref_squeeze %dma_start3A_70 : memref<1x128xi32, #tpu.memory_space<hbm>> -> memref<128xi32, #tpu.memory_space<hbm>>
          %dma_start3A_72 = arith.constant 0 : i32
          %dma_start3A_73 = tpu.memref_slice %arg4[%add3A_68, %dma_start3A_72] : memref<2560x128xi32, #tpu.memory_space<hbm>> -> memref<1x128xi32, #tpu.memory_space<hbm>>
          %dma_start3A_74 = tpu.memref_squeeze %dma_start3A_73 : memref<1x128xi32, #tpu.memory_space<hbm>> -> memref<128xi32, #tpu.memory_space<hbm>>
          tpu.enqueue_dma source(%dma_start3A_74 : memref<128xi32, #tpu.memory_space<hbm>>) target(%arg8 : memref<128xi32, #tpu.memory_space<vmem>>) target_semaphore(%run_scoped3A : memref<!tpu.dma_semaphore, #tpu.memory_space<semaphore_mem>>)
          %dma_wait3A_75 = arith.constant 0 : i32
          %dma_wait3A_76 = tpu.memref_slice %arg4[%add3A_68, %dma_wait3A_75] : memref<2560x128xi32, #tpu.memory_space<hbm>> -> memref<1x128xi32, #tpu.memory_space<hbm>>
          %dma_wait3A_77 = tpu.memref_squeeze %dma_wait3A_76 : memref<1x128xi32, #tpu.memory_space<hbm>> -> memref<128xi32, #tpu.memory_space<hbm>>
          %dma_wait3A_78 = arith.constant 0 : i32
          %dma_wait3A_79 = tpu.memref_slice %arg4[%add3A_68, %dma_wait3A_78] : memref<2560x128xi32, #tpu.memory_space<hbm>> -> memref<1x128xi32, #tpu.memory_space<hbm>>
          %dma_wait3A_80 = tpu.memref_squeeze %dma_wait3A_79 : memref<1x128xi32, #tpu.memory_space<hbm>> -> memref<128xi32, #tpu.memory_space<hbm>>
          tpu.wait_dma2 semaphore(%run_scoped3A : memref<!tpu.dma_semaphore, #tpu.memory_space<semaphore_mem>>) src(%dma_wait3A_80 : memref<128xi32, #tpu.memory_space<hbm>>) dst(%arg8 : memref<128xi32, #tpu.memory_space<vmem>>)
          tpu.yield
        }) : () -> ()
      } else {
      }
      %add3A_50 = arith.constant 1 : i32
      %add3A_51 = arith.addi %mul3A_31, %add3A_50 : i32
      %dma_wait3A_52 = arith.constant 0 : i32
      %dma_wait3A_53 = tpu.memref_slice %arg7[%add3A_51, %dma_wait3A_52] : memref<80x128xi32, #tpu.memory_space<vmem>> -> memref<1x128xi32, #tpu.memory_space<vmem>>
      %dma_wait3A_54 = tpu.memref_squeeze %dma_wait3A_53 : memref<1x128xi32, #tpu.memory_space<vmem>> -> memref<128xi32, #tpu.memory_space<vmem>>
      %dma_wait3A_55 = arith.constant 0 : i32
      %dma_wait3A_56 = arith.constant 0 : i32
      %dma_wait3A_57 = tpu.memref_slice %arg2[%dma_wait3A_55, %dma_wait3A_56] : memref<10240x64xf32, #tpu.memory_space<hbm>> -> memref<10240x64xf32, #tpu.memory_space<hbm>>
      tpu.wait_indirect_dma semaphore(%arg14 : memref<!tpu.dma_semaphore, #tpu.memory_space<semaphore_mem>>) src(%dma_wait3A_57 : memref<10240x64xf32, #tpu.memory_space<hbm>>) dst(%arg11 : memref<128x64xf32, #tpu.memory_space<vmem>>)
      "tpu.region"() ({
        %run_scoped3A = tpu.sem_alloc : memref<!tpu.dma_semaphore, #tpu.memory_space<semaphore_mem>>
        %dma_start3A_58 = arith.constant 0 : i32
        %dma_start3A_59 = arith.constant 0 : i32
        %dma_start3A_60 = tpu.memref_slice %arg12[%dma_start3A_58, %dma_start3A_59] : memref<10240x64xf32, #tpu.memory_space<vmem_shared>> -> memref<10240x64xf32, #tpu.memory_space<vmem_shared>>
        tpu.enqueue_indirect_dma source(%arg11 : memref<128x64xf32, #tpu.memory_space<vmem>>) target(%dma_start3A_60 : memref<10240x64xf32, #tpu.memory_space<vmem_shared>>) offsets(%arg9 : memref<128xi32, #tpu.memory_space<vmem>>) semaphore(%run_scoped3A : memref<!tpu.dma_semaphore, #tpu.memory_space<semaphore_mem>>) {add = true}
        %dma_wait3A_61 = arith.constant 0 : i32
        %dma_wait3A_62 = arith.constant 0 : i32
        %dma_wait3A_63 = tpu.memref_slice %arg12[%dma_wait3A_61, %dma_wait3A_62] : memref<10240x64xf32, #tpu.memory_space<vmem_shared>> -> memref<10240x64xf32, #tpu.memory_space<vmem_shared>>
        tpu.wait_indirect_dma semaphore(%run_scoped3A : memref<!tpu.dma_semaphore, #tpu.memory_space<semaphore_mem>>) src(%arg11 : memref<128x64xf32, #tpu.memory_space<vmem>>) dst(%dma_wait3A_63 : memref<10240x64xf32, #tpu.memory_space<vmem_shared>>)
        tpu.yield
      }) : () -> ()
    }
    %scan3A_21 = arith.constant 40 : i32
    %barrier3A_22 = arith.constant 0 : index
    tpu.barrier barrier_id(%barrier3A_22)
    %scan3A_23 = arith.constant 0 : i32
    %scan3A_24 = arith.constant 0 : i32
    %scan3A_25 = arith.constant 5 : i32
    %scan3A_26 = arith.addi %scan3A_24, %scan3A_25 : i32
    %scan3A_27 = arith.constant 1 : i32
    scf.for %scan3A_29 = %scan3A_24 to %scan3A_26 step %scan3A_27  : i32 {
      %mul3A_30 = arith.constant 128 : i32
      %mul3A_31 = arith.muli %scan3A_29, %mul3A_30 : i32
      %add3A_32 = arith.addi %mul3A_2, %mul3A_31 : i32
      "tpu.region"() ({
        %run_scoped3A = tpu.sem_alloc : memref<!tpu.dma_semaphore, #tpu.memory_space<semaphore_mem>>
        %dma_start3A_33 = arith.constant 0 : i32
        %dma_start3A_34 = tpu.memref_slice %arg12[%add3A_32, %dma_start3A_33] : memref<10240x64xf32, #tpu.memory_space<vmem_shared>> -> memref<128x64xf32, #tpu.memory_space<vmem_shared>>
        %dma_start3A_35 = arith.constant 0 : i32
        %dma_start3A_36 = tpu.memref_slice %arg12[%add3A_32, %dma_start3A_35] : memref<10240x64xf32, #tpu.memory_space<vmem_shared>> -> memref<128x64xf32, #tpu.memory_space<vmem_shared>>
        tpu.enqueue_dma source(%dma_start3A_36 : memref<128x64xf32, #tpu.memory_space<vmem_shared>>) target(%arg10 : memref<128x64xf32, #tpu.memory_space<vmem>>) target_semaphore(%run_scoped3A : memref<!tpu.dma_semaphore, #tpu.memory_space<semaphore_mem>>)
        %dma_wait3A = arith.constant 0 : i32
        %dma_wait3A_37 = tpu.memref_slice %arg12[%add3A_32, %dma_wait3A] : memref<10240x64xf32, #tpu.memory_space<vmem_shared>> -> memref<128x64xf32, #tpu.memory_space<vmem_shared>>
        %dma_wait3A_38 = arith.constant 0 : i32
        %dma_wait3A_39 = tpu.memref_slice %arg12[%add3A_32, %dma_wait3A_38] : memref<10240x64xf32, #tpu.memory_space<vmem_shared>> -> memref<128x64xf32, #tpu.memory_space<vmem_shared>>
        tpu.wait_dma2 semaphore(%run_scoped3A : memref<!tpu.dma_semaphore, #tpu.memory_space<semaphore_mem>>) src(%dma_wait3A_39 : memref<128x64xf32, #tpu.memory_space<vmem_shared>>) dst(%arg10 : memref<128x64xf32, #tpu.memory_space<vmem>>)
        tpu.yield
      }) : () -> ()
      "tpu.region"() ({
        %run_scoped3A = tpu.sem_alloc : memref<!tpu.dma_semaphore, #tpu.memory_space<semaphore_mem>>
        %dma_start3A_33 = arith.constant 0 : i32
        %dma_start3A_34 = tpu.memref_slice %arg6[%arg0, %add3A_32, %dma_start3A_33] : memref<2x10240x64xf32, #tpu.memory_space<hbm>> -> memref<1x128x64xf32, #tpu.memory_space<hbm>>
        %dma_start3A_35 = tpu.memref_squeeze %dma_start3A_34 : memref<1x128x64xf32, #tpu.memory_space<hbm>> -> memref<128x64xf32, #tpu.memory_space<hbm>>
        %dma_start3A_36 = arith.constant 0 : i32
        %dma_start3A_37 = tpu.memref_slice %arg6[%arg0, %add3A_32, %dma_start3A_36] : memref<2x10240x64xf32, #tpu.memory_space<hbm>> -> memref<1x128x64xf32, #tpu.memory_space<hbm>>
        %dma_start3A_38 = tpu.memref_squeeze %dma_start3A_37 : memref<1x128x64xf32, #tpu.memory_space<hbm>> -> memref<128x64xf32, #tpu.memory_space<hbm>>
        tpu.enqueue_dma source(%arg10 : memref<128x64xf32, #tpu.memory_space<vmem>>) target(%dma_start3A_38 : memref<128x64xf32, #tpu.memory_space<hbm>>) target_semaphore(%run_scoped3A : memref<!tpu.dma_semaphore, #tpu.memory_space<semaphore_mem>>)
        %dma_wait3A = arith.constant 0 : i32
        %dma_wait3A_39 = tpu.memref_slice %arg6[%arg0, %add3A_32, %dma_wait3A] : memref<2x10240x64xf32, #tpu.memory_space<hbm>> -> memref<1x128x64xf32, #tpu.memory_space<hbm>>
        %dma_wait3A_40 = tpu.memref_squeeze %dma_wait3A_39 : memref<1x128x64xf32, #tpu.memory_space<hbm>> -> memref<128x64xf32, #tpu.memory_space<hbm>>
        %dma_wait3A_41 = arith.constant 0 : i32
        %dma_wait3A_42 = tpu.memref_slice %arg6[%arg0, %add3A_32, %dma_wait3A_41] : memref<2x10240x64xf32, #tpu.memory_space<hbm>> -> memref<1x128x64xf32, #tpu.memory_space<hbm>>
        %dma_wait3A_43 = tpu.memref_squeeze %dma_wait3A_42 : memref<1x128x64xf32, #tpu.memory_space<hbm>> -> memref<128x64xf32, #tpu.memory_space<hbm>>
        tpu.wait_dma2 semaphore(%run_scoped3A : memref<!tpu.dma_semaphore, #tpu.memory_space<semaphore_mem>>) src(%arg10 : memref<128x64xf32, #tpu.memory_space<vmem>>) dst(%dma_wait3A_43 : memref<128x64xf32, #tpu.memory_space<hbm>>)
        tpu.yield
      }) : () -> ()
    }
    %scan3A_28 = arith.constant 5 : i32
    return
  }
}

module attributes {stable_mosaic.version = 14 : i64} {
  func.func @_tc_a(%arg0: i32, %arg1: memref<1024x128xf32, #tpu.memory_space<vmem>>, %arg2: memref<128x128xf32, #tpu.memory_space<vmem>>, %arg3: memref<2x1024xf32, #tpu.memory_space<vmem>>, %arg4: memref<1024x128xf32, #tpu.memory_space<vmem>>, %arg5: memref<1024xf32, #tpu.memory_space<vmem>>) attributes {dimension_semantics = [#tpu.dimension_semantics<arbitrary>], iteration_bounds = array<i64: 10>, scalar_prefetch = 0 : i64, scratch_operands = 0 : i64, tpu.core_type = #tpu.core_type<tc>, window_params = [{transform_indices = @transform_0, window_bounds = array<i64: 1024, 128>}, {pipeline_mode = #tpu.pipeline_mode<synchronous>, transform_indices = @transform_1, window_bounds = array<i64: 128, 128>}, {transform_indices = @transform_2, window_bounds = array<i64: 2, 1024>}, {transform_indices = @transform_3, window_bounds = array<i64: 1024, 128>}, {transform_indices = @transform_4, window_bounds = array<i64: 1024>}]} {
    %get3A = arith.constant 0 : index
    %get3A_0 = arith.constant 0 : index
    %get3A_1 = vector.load %arg3[%get3A, %get3A_0] : memref<2x1024xf32, #tpu.memory_space<vmem>>, vector<1x1024xf32>
    %get3A_2 = vector.shape_cast %get3A_1 : vector<1x1024xf32> to vector<1024xf32>
    %get3A_3 = arith.constant 1 : index
    %get3A_4 = arith.constant 0 : index
    %get3A_5 = vector.load %arg3[%get3A_3, %get3A_4] : memref<2x1024xf32, #tpu.memory_space<vmem>>, vector<1x1024xf32>
    %get3A_6 = vector.shape_cast %get3A_5 : vector<1x1024xf32> to vector<1024xf32>
    %add3A = arith.addf %get3A_2, %get3A_6 : vector<1024xf32>
    %add3A_7 = arith.constant 1.000000e+00 : f32
    %add3A_8 = vector.broadcast %add3A_7 : f32 to vector<1024xf32>
    %add3A_9 = arith.addf %add3A, %add3A_8 : vector<1024xf32>
    %rsqrt3A = math.rsqrt %add3A_9 : vector<1024xf32>
    %get3A_10 = arith.constant 0 : index
    %get3A_11 = arith.constant 0 : index
    %get3A_12 = vector.load %arg1[%get3A_10, %get3A_11] : memref<1024x128xf32, #tpu.memory_space<vmem>>, vector<1024x128xf32>
    %get3A_13 = arith.constant 0 : index
    %get3A_14 = arith.constant 0 : index
    %get3A_15 = vector.load %arg2[%get3A_13, %get3A_14] : memref<128x128xf32, #tpu.memory_space<vmem>>, vector<128x128xf32>
    %dot_general3A = arith.constant dense<0.000000e+00> : vector<1024x128xf32>
    %dot_general3A_16 = tpu.matmul %get3A_12, %get3A_15, %dot_general3A {dimension_numbers = #tpu.dot_dimension_numbers<[1], [0], [0], [1], [0, 0, 1, 1], [], []>, transpose_lhs_hint = false} : vector<1024x128xf32>, vector<128x128xf32>, vector<1024x128xf32> -> vector<1024x128xf32>
    %broadcast_in_dim3A = vector.shape_cast %rsqrt3A : vector<1024xf32> to vector<1024x1xf32>
    %mul3A = vector.broadcast %broadcast_in_dim3A : vector<1024x1xf32> to vector<1024x128xf32>
    %mul3A_17 = arith.mulf %dot_general3A_16, %mul3A : vector<1024x128xf32>
    %swap3A = arith.constant 0 : index
    %swap3A_18 = arith.constant 0 : index
    %swap3A_19 = vector.load %arg4[%swap3A, %swap3A_18] : memref<1024x128xf32, #tpu.memory_space<vmem>>, vector<1024x128xf32>
    tpu.vector_store %arg4[%swap3A, %swap3A_18], %mul3A_17 {strides = array<i32>} : memref<1024x128xf32, #tpu.memory_space<vmem>>, vector<1024x128xf32>,
    %swap3A_20 = arith.constant 0 : index
    %swap3A_21 = vector.load %arg5[%swap3A_20] : memref<1024xf32, #tpu.memory_space<vmem>>, vector<1024xf32>
    tpu.vector_store %arg5[%swap3A_20], %rsqrt3A {strides = array<i32>} : memref<1024xf32, #tpu.memory_space<vmem>>, vector<1024xf32>,
    return
  }
  func.func @transform_0(%arg0: i32) -> (i32, i32) {
    %c0_i32 = arith.constant 0 : i32
    %c0_i32_0 = arith.constant 0 : i32
    return %arg0, %c0_i32 : i32, i32
  }
  func.func @transform_1(%arg0: i32) -> (i32, i32) {
    %c0_i32 = arith.constant 0 : i32
    %c0_i32_0 = arith.constant 0 : i32
    %c0_i32_1 = arith.constant 0 : i32
    return %c0_i32, %c0_i32_0 : i32, i32
  }
  func.func @transform_2(%arg0: i32) -> (i32, i32) {
    %c0_i32 = arith.constant 0 : i32
    %c0_i32_0 = arith.constant 0 : i32
    return %c0_i32, %arg0 : i32, i32
  }
  func.func @transform_3(%arg0: i32) -> (i32, i32) {
    %c0_i32 = arith.constant 0 : i32
    %c0_i32_0 = arith.constant 0 : i32
    return %arg0, %c0_i32 : i32, i32
  }
  func.func @transform_4(%arg0: i32) -> i32 {
    %c0_i32 = arith.constant 0 : i32
    return %arg0 : i32
  }
}

module attributes {stable_mosaic.version = 14 : i64} {
  func.func @_tc_b(%arg0: i32, %arg1: memref<2x1024x128xf32, #tpu.memory_space<vmem>>, %arg2: memref<1024x128xf32, #tpu.memory_space<vmem>>, %arg3: memref<1024xf32, #tpu.memory_space<vmem>>, %arg4: memref<128xf32, #tpu.memory_space<vmem>>, %arg5: memref<128x64xf32, #tpu.memory_space<vmem>>, %arg6: memref<1024x64xf32, #tpu.memory_space<vmem>>) attributes {dimension_semantics = [#tpu.dimension_semantics<arbitrary>], iteration_bounds = array<i64: 10>, scalar_prefetch = 0 : i64, scratch_operands = 0 : i64, tpu.core_type = #tpu.core_type<tc>, window_params = [{transform_indices = @transform_0, window_bounds = array<i64: 2, 1024, 128>}, {transform_indices = @transform_1, window_bounds = array<i64: 1024, 128>}, {transform_indices = @transform_2, window_bounds = array<i64: 1024>}, {pipeline_mode = #tpu.pipeline_mode<synchronous>, transform_indices = @transform_3, window_bounds = array<i64: 128>}, {pipeline_mode = #tpu.pipeline_mode<synchronous>, transform_indices = @transform_4, window_bounds = array<i64: 128, 64>}, {transform_indices = @transform_5, window_bounds = array<i64: 1024, 64>}]} {
    %get3A = arith.constant 0 : index
    %get3A_0 = vector.load %arg3[%get3A] : memref<1024xf32, #tpu.memory_space<vmem>>, vector<1024xf32>
    %get3A_1 = arith.constant 0 : index
    %get3A_2 = arith.constant 0 : index
    %get3A_3 = arith.constant 0 : index
    %get3A_4 = vector.load %arg1[%get3A_1, %get3A_2, %get3A_3] : memref<2x1024x128xf32, #tpu.memory_space<vmem>>, vector<1x1024x128xf32>
    %get3A_5 = vector.shape_cast %get3A_4 : vector<1x1024x128xf32> to vector<1024x128xf32>
    %get3A_6 = arith.constant 1 : index
    %get3A_7 = arith.constant 0 : index
    %get3A_8 = arith.constant 0 : index
    %get3A_9 = vector.load %arg1[%get3A_6, %get3A_7, %get3A_8] : memref<2x1024x128xf32, #tpu.memory_space<vmem>>, vector<1x1024x128xf32>
    %get3A_10 = vector.shape_cast %get3A_9 : vector<1x1024x128xf32> to vector<1024x128xf32>
    %add3A = arith.addf %get3A_5, %get3A_10 : vector<1024x128xf32>
    %get3A_11 = arith.constant 0 : index
    %get3A_12 = arith.constant 0 : index
    %get3A_13 = vector.load %arg2[%get3A_11, %get3A_12] : memref<1024x128xf32, #tpu.memory_space<vmem>>, vector<1024x128xf32>
    %add3A_14 = arith.addf %add3A, %get3A_13 : vector<1024x128xf32>
    %broadcast_in_dim3A = vector.shape_cast %get3A_0 : vector<1024xf32> to vector<1024x1xf32>
    %mul3A = vector.broadcast %broadcast_in_dim3A : vector<1024x1xf32> to vector<1024x128xf32>
    %mul3A_15 = arith.mulf %add3A_14, %mul3A : vector<1024x128xf32>
    %get3A_16 = arith.constant 0 : index
    %get3A_17 = vector.load %arg4[%get3A_16] : memref<128xf32, #tpu.memory_space<vmem>>, vector<128xf32>
    %broadcast_in_dim3A_18 = vector.shape_cast %get3A_17 : vector<128xf32> to vector<1x128xf32>
    %add3A_19 = vector.broadcast %broadcast_in_dim3A_18 : vector<1x128xf32> to vector<1024x128xf32>
    %add3A_20 = arith.addf %mul3A_15, %add3A_19 : vector<1024x128xf32>
    %max3A = arith.constant 0.000000e+00 : f32
    %max3A_21 = vector.broadcast %max3A : f32 to vector<1024x128xf32>
    %max3A_22 = arith.maximumf %add3A_20, %max3A_21 : vector<1024x128xf32>
    %get3A_23 = arith.constant 0 : index
    %get3A_24 = arith.constant 0 : index
    %get3A_25 = vector.load %arg5[%get3A_23, %get3A_24] : memref<128x64xf32, #tpu.memory_space<vmem>>, vector<128x64xf32>
    %dot_general3A = arith.constant dense<0.000000e+00> : vector<1024x64xf32>
    %dot_general3A_26 = tpu.matmul %max3A_22, %get3A_25, %dot_general3A {dimension_numbers = #tpu.dot_dimension_numbers<[1], [0], [0], [1], [0, 0, 1, 1], [], []>, transpose_lhs_hint = false} : vector<1024x128xf32>, vector<128x64xf32>, vector<1024x64xf32> -> vector<1024x64xf32>
    %broadcast_in_dim3A_27 = vector.shape_cast %get3A_0 : vector<1024xf32> to vector<1024x1xf32>
    %mul3A_28 = vector.broadcast %broadcast_in_dim3A_27 : vector<1024x1xf32> to vector<1024x64xf32>
    %mul3A_29 = arith.mulf %dot_general3A_26, %mul3A_28 : vector<1024x64xf32>
    %swap3A = arith.constant 0 : index
    %swap3A_30 = arith.constant 0 : index
    %swap3A_31 = vector.load %arg6[%swap3A, %swap3A_30] : memref<1024x64xf32, #tpu.memory_space<vmem>>, vector<1024x64xf32>
    tpu.vector_store %arg6[%swap3A, %swap3A_30], %mul3A_29 {strides = array<i32>} : memref<1024x64xf32, #tpu.memory_space<vmem>>, vector<1024x64xf32>,
    return
  }
  func.func @transform_0(%arg0: i32) -> (i32, i32, i32) {
    %c0_i32 = arith.constant 0 : i32
    %c0_i32_0 = arith.constant 0 : i32
    %c0_i32_1 = arith.constant 0 : i32
    return %c0_i32, %arg0, %c0_i32_0 : i32, i32, i32
  }
  func.func @transform_1(%arg0: i32) -> (i32, i32) {
    %c0_i32 = arith.constant 0 : i32
    %c0_i32_0 = arith.constant 0 : i32
    return %arg0, %c0_i32 : i32, i32
  }
  func.func @transform_2(%arg0: i32) -> i32 {
    %c0_i32 = arith.constant 0 : i32
    return %arg0 : i32
  }
  func.func @transform_3(%arg0: i32) -> i32 {
    %c0_i32 = arith.constant 0 : i32
    %c0_i32_0 = arith.constant 0 : i32
    return %c0_i32 : i32
  }
  func.func @transform_4(%arg0: i32) -> (i32, i32) {
    %c0_i32 = arith.constant 0 : i32
    %c0_i32_0 = arith.constant 0 : i32
    %c0_i32_1 = arith.constant 0 : i32
    return %c0_i32, %c0_i32_0 : i32, i32
  }
  func.func @transform_5(%arg0: i32) -> (i32, i32) {
    %c0_i32 = arith.constant 0 : i32
    %c0_i32_0 = arith.constant 0 : i32
    return %arg0, %c0_i32 : i32, i32
  }
}

module attributes {stable_mosaic.version = 14 : i64} {
  func.func @_tc_c(%arg0: i32, %arg1: memref<2x1024x64xf32, #tpu.memory_space<vmem>>, %arg2: memref<1024x64xf32, #tpu.memory_space<vmem>>, %arg3: memref<1024xf32, #tpu.memory_space<vmem>>, %arg4: memref<64xf32, #tpu.memory_space<vmem>>, %arg5: memref<1024x64xf32, #tpu.memory_space<vmem>>) attributes {dimension_semantics = [#tpu.dimension_semantics<arbitrary>], iteration_bounds = array<i64: 10>, scalar_prefetch = 0 : i64, scratch_operands = 0 : i64, tpu.core_type = #tpu.core_type<tc>, window_params = [{transform_indices = @transform_0, window_bounds = array<i64: 2, 1024, 64>}, {transform_indices = @transform_1, window_bounds = array<i64: 1024, 64>}, {transform_indices = @transform_2, window_bounds = array<i64: 1024>}, {pipeline_mode = #tpu.pipeline_mode<synchronous>, transform_indices = @transform_3, window_bounds = array<i64: 64>}, {transform_indices = @transform_4, window_bounds = array<i64: 1024, 64>}]} {
    %get3A = arith.constant 0 : index
    %get3A_0 = vector.load %arg3[%get3A] : memref<1024xf32, #tpu.memory_space<vmem>>, vector<1024xf32>
    %get3A_1 = arith.constant 0 : index
    %get3A_2 = arith.constant 0 : index
    %get3A_3 = arith.constant 0 : index
    %get3A_4 = vector.load %arg1[%get3A_1, %get3A_2, %get3A_3] : memref<2x1024x64xf32, #tpu.memory_space<vmem>>, vector<1x1024x64xf32>
    %get3A_5 = vector.shape_cast %get3A_4 : vector<1x1024x64xf32> to vector<1024x64xf32>
    %get3A_6 = arith.constant 1 : index
    %get3A_7 = arith.constant 0 : index
    %get3A_8 = arith.constant 0 : index
    %get3A_9 = vector.load %arg1[%get3A_6, %get3A_7, %get3A_8] : memref<2x1024x64xf32, #tpu.memory_space<vmem>>, vector<1x1024x64xf32>
    %get3A_10 = vector.shape_cast %get3A_9 : vector<1x1024x64xf32> to vector<1024x64xf32>
    %add3A = arith.addf %get3A_5, %get3A_10 : vector<1024x64xf32>
    %get3A_11 = arith.constant 0 : index
    %get3A_12 = arith.constant 0 : index
    %get3A_13 = vector.load %arg2[%get3A_11, %get3A_12] : memref<1024x64xf32, #tpu.memory_space<vmem>>, vector<1024x64xf32>
    %add3A_14 = arith.addf %add3A, %get3A_13 : vector<1024x64xf32>
    %broadcast_in_dim3A = vector.shape_cast %get3A_0 : vector<1024xf32> to vector<1024x1xf32>
    %mul3A = vector.broadcast %broadcast_in_dim3A : vector<1024x1xf32> to vector<1024x64xf32>
    %mul3A_15 = arith.mulf %add3A_14, %mul3A : vector<1024x64xf32>
    %get3A_16 = arith.constant 0 : index
    %get3A_17 = vector.load %arg4[%get3A_16] : memref<64xf32, #tpu.memory_space<vmem>>, vector<64xf32>
    %broadcast_in_dim3A_18 = vector.shape_cast %get3A_17 : vector<64xf32> to vector<1x64xf32>
    %add3A_19 = vector.broadcast %broadcast_in_dim3A_18 : vector<1x64xf32> to vector<1024x64xf32>
    %add3A_20 = arith.addf %mul3A_15, %add3A_19 : vector<1024x64xf32>
    %swap3A = arith.constant 0 : index
    %swap3A_21 = arith.constant 0 : index
    %swap3A_22 = vector.load %arg5[%swap3A, %swap3A_21] : memref<1024x64xf32, #tpu.memory_space<vmem>>, vector<1024x64xf32>
    tpu.vector_store %arg5[%swap3A, %swap3A_21], %add3A_20 {strides = array<i32>} : memref<1024x64xf32, #tpu.memory_space<vmem>>, vector<1024x64xf32>,
    return
  }
  func.func @transform_0(%arg0: i32) -> (i32, i32, i32) {
    %c0_i32 = arith.constant 0 : i32
    %c0_i32_0 = arith.constant 0 : i32
    %c0_i32_1 = arith.constant 0 : i32
    return %c0_i32, %arg0, %c0_i32_0 : i32, i32, i32
  }
  func.func @transform_1(%arg0: i32) -> (i32, i32) {
    %c0_i32 = arith.constant 0 : i32
    %c0_i32_0 = arith.constant 0 : i32
    return %arg0, %c0_i32 : i32, i32
  }
  func.func @transform_2(%arg0: i32) -> i32 {
    %c0_i32 = arith.constant 0 : i32
    return %arg0 : i32
  }
  func.func @transform_3(%arg0: i32) -> i32 {
    %c0_i32 = arith.constant 0 : i32
    %c0_i32_0 = arith.constant 0 : i32
    return %c0_i32 : i32
  }
  func.func @transform_4(%arg0: i32) -> (i32, i32) {
    %c0_i32 = arith.constant 0 : i32
    %c0_i32_0 = arith.constant 0 : i32
    return %arg0, %c0_i32 : i32, i32
  }
}

</mosaic_0001>

<sc_bundles>
// kernel: kernel.11.cloned.1.call-start
scs
__scs_entry_jumppad:
0x0: {  	(pc) =	sbr.rel $0x88, $3  }
0x1: {  	(tag) =	ssettag $0x0;
	lr =	simm.s32 $0x1  }
0x2: {  	[smem:$0x3F9B] =	sst lr;
	_ =	strace $0xD0000000  }
0x3: {  	_ = 	snop  }
0x4: {  	_ = 	snop  }
0x5: {  	_ = 	snop  }
0x6: {  	_ = 	snop  }
0x7: {  	_ = 	snop  }
__scs_overlays_trampoline_lowered:
0x8: {  	[smem:$0x3FAA] =	sst s0  }
0x9: {  	[smem:$0x3FAB] =	sst s1  }
0xa: {  	[smem:$0x3FAC] =	sst s2  }
0xb: {  	[smem:$0x3FAD] =	sst s3  }
0xc: {  	[smem:$0x3FAE] =	sst s4  }
0xd: {  	[smem:$0x3FAF] =	sst s5  }
0xe: {  	[smem:$0x3FB0] =	sst s6  }
0xf: {  	[smem:$0x3FB1] =	sst s7  }
0x10: {  	[smem:$0x3FB2] =	sst s8  }
0x11: {  	[smem:$0x3FB3] =	sst s9;
	s0 =	simm.s32 @!p0 $0x0  }
0x12: {  	s1 =	sld [smem:$0x3F99];
	s0 =	simm.s32 @p0 $0x1  }
0x13: {  	[smem:$0x3FB4] =	sst s0;
	s0 =	simm.s32 @!p1 $0x0  }
0x14: {  	s2 =	sld [smem:$0x3F98];
	s0 =	simm.s32 @p1 $0x1  }
0x15: {  	[smem:$0x3FB5] =	sst s0;
	s0 =	simm.s32 @!p2 $0x0  }
0x16: {  	s3 =	sld [smem:$0x3FDB];
	s0 =	simm.s32 @p2 $0x1  }
0x17: {  	s4 =	simm.s32 $0x1BF5;
	[smem:$0x3FB7] =	sst s0  }
0x18: {  	s0 =	sld [smem:$0x3F9A];
	_ =	swait.ge [sflag:s4], $0x0  }
0x19: {  	s7 =	sld [smem:$0x3F9B]  }
0x1a: {  	s8 =	sadd.s32 $0xFFFFE003, lr  }
0x1b: {  	s9 =	sadd.s32 $0xFFFFFEF7, lr;
	s5 =	simm.s32 $0xFFFFFFFF;
	p2 =	slt.u32 s8, $0xFFFFF086  }
0x1c: {  	p1 =	slt.u32 s9, $0xF7A;
	s5 =	simm.s32 @!p2 $0x0  }
0x1d: {  	s5 =	simm.s32 @p1 $0x1;
	p0 =	seq.s32 s7, s2  }
0x1e: {  	s7 =	smul.u32 @!p0 $0xF7A, s2;
	p2 =	seq.s32 @!p0 s5, $0x0  }
0x1f: {  	s9 =	smul.u32 $0xF7A, s1;
	s8 =	simm.s32 @!p0 $0x1BF5;
	p2 =	por !p2, p0  }
0x20: {  	[sflag:s8] =	ssyncset.s32 @!p0 $0xFFFFF086;
	s6 =	sadd.s32 @!p0 s3, s7;
	s7 =	simm.s32 @!p0 $0x108  }
0x21: {  	s3 =	sadd.s32 s3, s9;
	s6 =	sadd.s32 @!p0 $0x88, s6;
	s7 =	simm.s32 @p2 $0x1082  }
0x22: {  	[simem:s7], [sflag:s8] =	dma.local @!p0 [hbm:s6], $0xF7A  }
0x23: {  	s9 =	sor.u32 $0xD0000000, s2;
	s6 =	simm.s32 $0x108;
	_ =	swait.ge @!p0 [sflag:s8], $0x0  }
0x24: {  	s3 =	sadd.s32 $0x88, s3;
	s6 =	simm.s32 @!p1 $0x1082;
	[sflag:s4] =	ssyncset.s32 $0xFFFFF086  }
0x25: {  	[simem:s6], [sflag:s4] =	dma.local [hbm:s3], $0xF7A  }
0x26: {  	[smem:$0x3F9B] =	sst s1;
	(tag) =	ssettag s2;
	_ =	strace s9  }
0x27: {  	s1 =	sld [smem:$0x3FAB]  }
0x28: {  	s2 =	sld [smem:$0x3FAC]  }
0x29: {  	s4 =	sld [smem:$0x3FAE]  }
0x2a: {  	p0 =	seq.s32 s5, $0x0;
	s5 =	sld [smem:$0x3FAF]  }
0x2b: {  	s6 =	sld [smem:$0x3FB0]  }
0x2c: {  	s7 =	sld [smem:$0x3FB1]  }
0x2d: {  	s3 =	simm.s32 $0x108;
	s8 =	sld [smem:$0x3FB2]  }
0x2e: {  	s3 =	simm.s32 @!p0 $0x1082;
	s9 =	sld [smem:$0x3FB3]  }
0x2f: {  	lr =	sadd.s32 s0, s3;
	s0 =	sld [smem:$0x3FAA]  }
0x30: {  	s3 =	sld [smem:$0x3FAD]  }
0x31: {  	[smem:$0x3FB6] =	sst s10  }
0x32: {  	s10 =	sld [smem:$0x3FB4];
	_ =	sdelay $0x3  }
0x33: {  	p0 =	seq.s32 s10, $0x1;
	s10 =	sld [smem:$0x3FB6];
	_ =	sdelay $0x3  }
0x34: {  	[smem:$0x3FB6] =	sst s10  }
0x35: {  	s10 =	sld [smem:$0x3FB5];
	_ =	sdelay $0x3  }
0x36: {  	p1 =	seq.s32 s10, $0x1;
	s10 =	sld [smem:$0x3FB6];
	_ =	sdelay $0x3  }
0x37: {  	[smem:$0x3FB6] =	sst s10  }
0x38: {  	s10 =	sld [smem:$0x3FB7]  }
0x39: {  	_ = 	snop;
	(pc) =	sbr.ind lr, $3  }
0x3a: {  	_ = 	snop  }
0x3b: {  	_ = 	snop  }
0x3c: {  	p2 =	seq.s32 s10, $0x1;
	s10 =	sld [smem:$0x3FB6]  }
0x3d: {  	_ =	shalt  }
0x3e: {  	_ =	shalt  }
0x3f: {  	_ =	shalt  }
0x40: {  	_ =	shalt  }
0x41: {  	_ =	shalt  }
0x42: {  	_ =	shalt  }
0x43: {  	_ =	shalt  }
0x44: {  	_ =	shalt  }
0x45: {  	_ =	shalt  }
0x46: {  	_ =	shalt  }
0x47: {  	_ =	shalt  }
0x48: {  	_ =	shalt  }
0x49: {  	_ =	shalt  }
0x4a: {  	_ =	shalt  }
0x4b: {  	_ =	shalt  }
0x4c: {  	_ =	shalt  }
0x4d: {  	_ =	shalt  }
0x4e: {  	_ =	shalt  }
0x4f: {  	_ =	shalt  }
0x50: {  	_ =	shalt  }
0x51: {  	_ =	shalt  }
0x52: {  	_ =	shalt  }
0x53: {  	_ =	shalt  }
0x54: {  	_ =	shalt  }
0x55: {  	_ =	shalt  }
0x56: {  	_ =	shalt  }
0x57: {  	_ =	shalt  }
0x58: {  	_ =	shalt  }
0x59: {  	_ =	shalt  }
0x5a: {  	_ =	shalt  }
0x5b: {  	_ =	shalt  }
0x5c: {  	_ =	shalt  }
0x5d: {  	_ =	shalt  }
0x5e: {  	_ =	shalt  }
0x5f: {  	_ =	shalt  }
0x60: {  	_ =	shalt  }
0x61: {  	_ =	shalt  }
0x62: {  	_ =	shalt  }
0x63: {  	_ =	shalt  }
0x64: {  	_ =	shalt  }
0x65: {  	_ =	shalt  }
0x66: {  	_ =	shalt  }
0x67: {  	_ =	shalt  }
0x68: {  	_ =	shalt  }
0x69: {  	_ =	shalt  }
0x6a: {  	_ =	shalt  }
0x6b: {  	_ =	shalt  }
0x6c: {  	_ =	shalt  }
0x6d: {  	_ =	shalt  }
0x6e: {  	_ =	shalt  }
0x6f: {  	_ =	shalt  }
0x70: {  	_ =	shalt  }
0x71: {  	_ =	shalt  }
0x72: {  	_ =	shalt  }
0x73: {  	_ =	shalt  }
0x74: {  	_ =	shalt  }
0x75: {  	_ =	shalt  }
0x76: {  	_ =	shalt  }
0x77: {  	_ =	shalt  }
0x78: {  	_ =	shalt  }
0x79: {  	_ =	shalt  }
0x7a: {  	_ =	shalt  }
0x7b: {  	_ =	shalt  }
0x7c: {  	_ =	shalt  }
0x7d: {  	_ =	shalt  }
0x7e: {  	_ =	shalt  }
0x7f: {  	_ =	shalt  }
0x80: {  	_ =	shalt  }
0x81: {  	_ =	shalt  }
0x82: {  	_ =	shalt  }
0x83: {  	_ =	shalt  }
0x84: {  	_ =	shalt  }
0x85: {  	_ =	shalt  }
0x86: {  	_ =	shalt  }
0x87: {  	_ =	shalt  }
.Lfunc_end0:
.L_simem_size_0:
called_computation.1_lowered:
.L_overlay_start_0:
0x88: {  	s2 =	sld [smem:$0x3FD9]  }
0x89: {  	s3 =	sld [smem:$0x3FFE];
	_ =	sdelay $0x1  }
0x8a: {  	s1 =	srdreg.scid  }
0x8b: {  	s0 =	sand.u32 $0x1, s1  }
0x8c: {  	s17 =	sshll.u32 s0, $0xA;
	s2 =	sadd.s32 s3, s2  }
0x8d: {  	s2 =	sadd.s32 s2, s17  }
0x8e: {  	[smem:$0x3FC2] =	sst s2  }
0x8f: {  	_ = 	snop  }
0x90: {  	s2 =	sld [smem:$0x3FD0];
	(tm) =	ssettm $0x1  }
0x91: {  	s18 =	sld [smem:$0x3FFB];
	_ =	sdelay $0x3  }
0x92: {  	_ =	strace s18  }
0x93: {  	s3 =	sld [smem:$0x3FFC];
	_ =	sdelay $0x3  }
0x94: {  	_ =	strace s3  }
0x95: {  	s3 =	sld [smem:$0x3FFD];
	_ =	sdelay $0x3  }
0x96: {  	_ =	strace s3  }
0x97: {  	_ =	strace $0x8FFFFFFF  }
0x98: {  	s19 =	sld [smem:$0x3FDB];
	_ =	sdelay $0x1  }
0x99: {  	s4 =	simm.s32 $_scs_section_size  }
0x9a: {  	s5 =	simm.s32 $_size__tile_overlayer_lowered;
	s6 =	simm.s32 $_tile_overlayer_lowered  }
0x9b: {  	s22 =	simm.s32 $0x1BFF;
	s21 =	sshll.u32 s6, $0x1;
	s3 =	sadd.s32 s4, s19  }
0x9c: {  	s7 =	simm.s32 $0x0;
	s20 =	sshll.u32 s5, $0x1;
	s5 =	sadd.s32 s21, s3  }
0x9d: {  	[timem:s7], [sflag:s22] =	dma.local [hbm:s5], s20  }
0x9e: {  	_ =	swait.ge [sflag:s22], s20  }
0x9f: {  	s4 =	ssub.s32 $0x0, s20;
	[sflag:s22] =	ssyncset.done $0x0  }
0xa0: {  	[sflag:s22] =	ssyncadd.s32 s4;
	_ =	sdelay $0x1  }
0xa1: {  	s23 =	simm.s32 $0x1B8B  }
0xa2: {  	_ =	swait.ge [sflag:s23], $0x1  }
0xa3: {  	[sflag:s23] =	ssyncset.done $0x0  }
0xa4: {  	s25 =	simm.s32 $0x1B8E;
	s24 =	sld [smem:$0x3FFE];
	[sflag:s23] =	ssyncadd.s32 $0xFFFFFFFF  }
0xa5: {  	s26 =	simm.s32 $execute0_lowered;
	[smem:$0x3FD2] =	sst s25  }
0xa6: {  	s5 =	sshll.u32 s26, $0x1;
	_ =	strace $0x80000049;
	[dreg:$0x1] =	wrdreg $0xFFFFFFFF  }
0xa7: {  	s28 =	simm.s32 $_size_execute0_lowered;
	s3 =	sadd.s32 s3, s5;
	[dreg:$0x0] =	wrdreg $0x0  }
0xa8: {  	s5 =	sshll.u32 s28, $0x1;
	[dreg:$0x2] =	wrdreg s3  }
0xa9: {  	[dreg:$0x3] =	wrdreg s5  }
0xaa: {  	[dreg:$0x4] =	wrdreg $0xC0  }
0xab: {  	_ =	task [dreg:s7], $0x5FFFF  }
0xac: {  	[dreg:$0x1] =	wrdreg $0xFFFFFFFF  }
0xad: {  	[dreg:$0x0] =	wrdreg $0x60  }
0xae: {  	[dreg:$0x2] =	wrdreg s24  }
0xaf: {  	[dreg:$0x3] =	wrdreg s2  }
0xb0: {  	[dreg:$0x4] =	wrdreg $0xA9000  }
0xb1: {  	[dreg:$0x5] =	wrdreg $0x9  }
0xb2: {  	_ =	task.clear_ibuf [dreg:s7], $0x6FFFF;
	_ =	strace $0x90000049  }
0xb3: {  	s29 =	simm.s32 $0x9;
	_ =	strace $0x8000004B  }
0xb4: {  	_ =	swait.ge [sflag:s29], $0x1  }
0xb5: {  	[sflag:s29] =	ssyncadd.s32 $0xFFFFFFFF  }
0xb6: {  	_ =	strace $0x9000004B  }
0xb7: {  	_ =	sfence  }
0xb8: {  	s30 =	sld [smem:$0x0];
	_ =	sdelay $0x2  }
0xb9: {  	s31 =	sshll.u32 s1, $0xD;
	s1 =	sshrl.u32 s1, $0x2  }
0xba: {  	s3 =	sand.u32 $0x4000, s31;
	s1 =	sadd.s32 s1, s30  }
0xbb: {  	s0 =	sor.u32 s3, s0;
	s1 =	sshll.u32 s1, $0x11  }
0xbc: {  	s0 =	sor.u32 s1, s0  }
0xbd: {  	s0 =	sadd.s32 $0x8F2B, s0  }
0xbe: {  	[sflag:s0] =	ssyncadd.remote.s32 $0x1  }
0xbf: {  	_ =	sfence.sel $0xFFFF  }
0xc0: {  	[dreg:$0x0] =	wrdreg $0xFFFFFFFF;
	(pc) =	sbr.abs _section_cstart, $3  }
0xc1: {  	[dreg:$0x1] =	wrdreg $0xFFFFFFFF  }
0xc2: {  	_ =	task.clear_ibuf [dreg:s7], $0x2FFFF;
	_ =	strace $0x9FFFFFFF  }
0xc3: {  	(tm) =	ssettm $0x7FFFFFFF  }
tec
execute0_lowered:
.L_overlay_start_1:
0x0: {  	(tag) =	ssettag $0x1  }
0x1: {  	s0 =	rddreg [dreg:$0x0]  }
0x2: {  	s2 =	rddreg [dreg:$0x1]  }
0x3: {  	s1 =	srdreg.scid;
	s3 =	rddreg [dreg:$0x2]  }
0x4: {  	s11 =	stileid.u32;
	s4 =	simm.s32 $0x0;
	s28 =	simm.s32 $0x3  }
0x5: {  	s29 =	simm.s32 $0x2900;
	s30 =	simm.s32 $0x80;
	s31 =	simm.s32 $0x2800  }
0x6: {  	s1 =	sand.u32 $0x1, s1;
	[smem:$0x7FF] =	sst s4;
	s9 =	smul.u32 $0x50000, s11  }
0x7: {  	s10 =	sadd.s32 $0x2000, s0;
	s25 =	smul.u32 $0x14000, s11;
	s5 =	sshll.u32 s1, $0x4  }
0x8: {  	_ =	strace $0x8000004A;
	s8 =	ssub.s32 $0x2, s1;
	s24 =	smul.u32 $0x140000, s1  }
0x9: {  	[dreg:$0x4] =	wrdreg s10;
	s1 =	smul.u32 $0x5000, s1;
	s5 =	sor.u32 s11, s5  }
0xa: {  	s22 =	sshrl.u32 s8, $0x1;
	s23 =	sshrl.u32 s9, $0x2;
	s11 =	smul.u32 $0x500, s11  }
0xb: {  	s17 =	sadd.s32 $0x4000, s25;
	s20 =	sadd.s32 $0x8000, s25;
	s6 =	smul.u32 $0x500, s5  }
0xc: {  	s5 =	sadd.s32 $0xCE00, s0;
	s10 =	ssub.s32 s8, s22;
	s8 =	sadd.s32 s23, s3  }
0xd: {  	s15 =	sadd.s32 s24, s25;
	s18 =	sadd.s32 s17, s3;
	s19 =	sadd.s32 s24, s17  }
0xe: {  	s21 =	sadd.s32 s24, s20;
	s26 =	smax.u32 s10, $0x1;
	[dreg:$0xc] =	wrdreg s18  }
0xf: {  	s22 =	sadd.s32 $0xC000, s25;
	s10 =	sadd.s32 $0x4000, s8;
	[dreg:$0x6] =	wrdreg s26  }
0x10: {  	s13 =	sadd.s32 $0x8000, s8;
	s14 =	sadd.s32 $0xC000, s8;
	[dreg:$0x7] =	wrdreg s10  }
0x11: {  	s16 =	sadd.s32 $0x10000, s8;
	s23 =	sadd.s32 s24, s22;
	[dreg:$0x8] =	wrdreg s13  }
0x12: {  	s7 =	sadd.s32 s6, s0;
	s0 =	sadd.s32 $0x34E00, s0;
	[dreg:$0x9] =	wrdreg s14  }
0x13: {  	s12 =	sadd.s32 s2, s6;
	[dreg:$0xa] =	wrdreg s16;
	s10 =	sadd.s32 s20, s3  }
0x14: {  	s6 =	sshrl.u32 s15, $0x3;
	s7 =	sadd.s32 $0x2E00, s7;
	[dreg:$0xe] =	wrdreg s10  }
0x15: {  	s6 =	sadd.s32 s0, s6;
	s20 =	smov.u32 s12;
	[dreg:$0x5] =	wrdreg s7  }
0x16: {  	s10 =	simm.s32 $0x0;
	[dreg:$0xb] =	wrdreg s6;
	s6 =	sshrl.u32 s19, $0x3  }
0x17: {  	s19 =	sadd.s32 s11, s1;
	s7 =	sadd.s32 $0x10000, s25;
	s1 =	sshrl.u32 s23, $0x3  }
0x18: {  	s6 =	sadd.s32 s0, s6;
	s24 =	sadd.s32 s24, s7;
	s23 =	sadd.s32 s7, s3  }
0x19: {  	s26 =	sadd.s32 s2, s19;
	s7 =	simm.s32 $0x2;
	[dreg:$0xd] =	wrdreg s6  }
0x1a: {  	s6 =	sshrl.u32 s21, $0x3;
	s21 =	sadd.s32 s22, s3;
	s22 =	sadd.s32 s0, s1  }
0x1b: {  	s25 =	sshrl.u32 s24, $0x3;
	s1 =	simm.s32 $0x2880;
	s6 =	sadd.s32 s0, s6  }
0x1c: {  	s24 =	sadd.s32 s0, s25;
	s25 =	sadd.s32 $0x20, s26;
	s26 =	sadd.s32 $0x4F0, s12  }
0x1d: {  	s0 =	simm.s32 $0x6900;
	[dreg:$0xf] =	wrdreg s6;
	s6 =	simm.s32 $0x1  }
.LBB2_1:
0x1e: {  	s9 =	rddreg [dreg:$0x5]  }
0x1f: {  	[tilespmem:s4], [sflag:$0x3] =	stream.linear.gather [hbm4b:s9+s4], $0x2800, $0x38;
	[tilespmem:$0x1E900] =	vst v63  }
0x20: {  	_ =	swait.ge [sflag:s28], $0x2800  }
0x21: {  	[sflag:s28] =	ssyncset.done $0x0  }
0x22: {  	s11 =	rddreg [dreg:$0x4];
	[sflag:s28] =	ssyncadd.s32 $0xFFFFD800  }
0x23: {  	[tilespmem:s29], [sflag:$0x3] =	stream.linear.gather [hbm4b:s11+s4], $0x4000, $0x38;
	[tilespmem:$0x1E900] =	vst v63  }
0x24: {  	_ =	swait.ge [sflag:s28], $0x4000  }
0x25: {  	[sflag:s28] =	ssyncset.done $0x0  }
0x26: {  	[sflag:s28] =	ssyncadd.s32 $0xFFFFC000  }
0x27: {  	[spmem:s8] =	stream.linear.scatter [tilespmem:s29], [sflag:$0x3], $0x4000, $0x38;
	[tilespmem:$0x1E900] =	vst v63  }
0x28: {  	_ =	swait.ge [sflag:s28], $0x4000  }
0x29: {  	[sflag:s28] =	ssyncset.done $0x0  }
0x2a: {  	s12 =	rddreg [dreg:$0x7];
	[sflag:s28] =	ssyncadd.s32 $0xFFFFC000  }
0x2b: {  	[spmem:s12] =	stream.linear.scatter [tilespmem:s29], [sflag:$0x3], $0x4000, $0x38;
	[tilespmem:$0x1E900] =	vst v63  }
0x2c: {  	_ =	swait.ge [sflag:s28], $0x4000  }
0x2d: {  	[sflag:s28] =	ssyncset.done $0x0  }
0x2e: {  	s13 =	rddreg [dreg:$0x8];
	[sflag:s28] =	ssyncadd.s32 $0xFFFFC000  }
0x2f: {  	[spmem:s13] =	stream.linear.scatter [tilespmem:s29], [sflag:$0x3], $0x4000, $0x38;
	[tilespmem:$0x1E900] =	vst v63  }
0x30: {  	_ =	swait.ge [sflag:s28], $0x4000  }
0x31: {  	[sflag:s28] =	ssyncset.done $0x0  }
0x32: {  	s14 =	rddreg [dreg:$0x9];
	[sflag:s28] =	ssyncadd.s32 $0xFFFFC000  }
0x33: {  	[spmem:s14] =	stream.linear.scatter [tilespmem:s29], [sflag:$0x3], $0x4000, $0x38;
	[tilespmem:$0x1E900] =	vst v63  }
0x34: {  	_ =	swait.ge [sflag:s28], $0x4000  }
0x35: {  	[sflag:s28] =	ssyncset.done $0x0  }
0x36: {  	s15 =	rddreg [dreg:$0xa];
	[sflag:s28] =	ssyncadd.s32 $0xFFFFC000  }
0x37: {  	[spmem:s15] =	stream.linear.scatter [tilespmem:s29], [sflag:$0x3], $0x4000, $0x38;
	[tilespmem:$0x1E900] =	vst v63  }
0x38: {  	_ =	swait.ge [sflag:s28], $0x4000  }
0x39: {  	[sflag:s28] =	ssyncset.done $0x0  }
0x3a: {  	[sflag:s28] =	ssyncadd.s32 $0xFFFFC000  }
0x3b: {  	[bflag:$0x0] =	sbarrier.arrive $0xFFFF  }
0x3c: {  	[tilespmem:s29], [sflag:$0x1] =	stream.indirect.gather [hbm4b:s5+s30], $0x80, s4, s30, $0xb8;
	[tilespmem:$0x1E900] =	vst v63  }
0x3d: {  	_ = 	snop  }
0x3e: {  	[tilespmem:s31], [sflag:$0x3] =	stream.linear.gather [hbm4b:s20+s4], $0x80, $0x38;
	[tilespmem:$0x1E900] =	vst v63  }
0x3f: {  	s16 =	sadd.s32 $0x0, s19;
	s11 =	sand.u32 $0x60, s4;
	_ =	swait.ge [sflag:s28], $0x80  }
0x40: {  	s9 =	sand.u32 $0xFFFFF80, s16;
	s11 =	sadd.s32 s11, s2;
	[sflag:s28] =	ssyncset.done $0x0  }
0x41: {  	s9 =	sadd.s32 s9, s11;
	s12 =	simm.s32 $0x80;
	[sflag:s28] =	ssyncadd.s32 $0xFFFFFF80  }
0x42: {  	[tilespmem:s0], [sflag:$0x2] =	stream.indirect.gather [hbm4b:s5+s30], $0x80, s12, s30, $0xb8;
	[tilespmem:$0x1E900] =	vst v63  }
0x43: {  	s9 =	sadd.s32 $0x10, s9  }
0x44: {  	[tilespmem:s1], [sflag:$0x3] =	stream.linear.gather [hbm4b:s9+s4], $0x80, $0x38;
	[tilespmem:$0x1E900] =	vst v63  }
0x45: {  	_ =	swait.ge [sflag:s28], $0x80  }
0x46: {  	[sflag:s28] =	ssyncset.done $0x0  }
0x47: {  	[sflag:s28] =	ssyncadd.s32 $0xFFFFFF80  }
0x48: {  	_ =	swait.ge [sflag:s6], $0x4000  }
0x49: {  	[sflag:s6] =	ssyncset.done $0x0  }
0x4a: {  	[sflag:s6] =	ssyncadd.s32 $0xFFFFC000  }
0x4b: {  	[spmem:s3] =	stream.indirect.scatter.add.f32 [tilespmem:s29], [sflag:$0x3], $0x80, s31, s30, $0xb8;
	[tilespmem:$0x1E900] =	vst v63  }
0x4c: {  	_ =	swait.ge [sflag:s28], $0x4000  }
0x4d: {  	[sflag:s28] =	ssyncset.done $0x0  }
0x4e: {  	s17 =	simm.s32 $0x100;
	[sflag:s28] =	ssyncadd.s32 $0xFFFFC000  }
0x4f: {  	[tilespmem:s29], [sflag:$0x1] =	stream.indirect.gather [hbm4b:s5+s30], $0x80, s17, s30, $0xb8;
	[tilespmem:$0x1E900] =	vst v63  }
0x50: {  	s18 =	sadd.s32 $0x0, s25  }
0x51: {  	[tilespmem:s31], [sflag:$0x3] =	stream.linear.gather [hbm4b:s18+s4], $0x80, $0x38;
	[tilespmem:$0x1E900] =	vst v63  }
0x52: {  	_ =	swait.ge [sflag:s28], $0x80  }
0x53: {  	[sflag:s28] =	ssyncset.done $0x0  }
0x54: {  	[sflag:s28] =	ssyncadd.s32 $0xFFFFFF80  }
0x55: {  	s11 =	simm.s32 $0x20;
	_ =	swait.ge [sflag:s7], $0x4000  }
0x56: {  	s16 =	sand.u32 $0x60, s11;
	s13 =	simm.s32 $0x40;
	[sflag:s7] =	ssyncset.done $0x0  }
0x57: {  	s14 =	simm.s32 $0x300;
	s15 =	simm.s32 $0x180;
	[sflag:s7] =	ssyncadd.s32 $0xFFFFC000  }
0x58: {  	[spmem:s3] =	stream.indirect.scatter.add.f32 [tilespmem:s0], [sflag:$0x3], $0x80, s1, s30, $0xb8;
	[tilespmem:$0x1E900] =	vst v63  }
0x59: {  	s12 =	simm.s32 $0x200;
	s9 =	sadd.s32 $0x20, s19;
	_ =	swait.ge [sflag:s28], $0x4000  }
.LBB2_2:
0x5a: {  	s9 =	sand.u32 $0xFFFFF80, s9  }
0x5b: {  	s16 =	sadd.s32 s16, s2;
	[sflag:s28] =	ssyncset.done $0x0;
	s17 =	smov.u32 s13  }
0x5c: {  	s18 =	sadd.s32 $0xFFFFFF80, s14;
	s9 =	sadd.s32 s9, s16;
	[sflag:s28] =	ssyncadd.s32 $0xFFFFC000  }
0x5d: {  	[tilespmem:s0], [sflag:$0x2] =	stream.indirect.gather [hbm4b:s5+s30], $0x80, s15, s30, $0xb8;
	[tilespmem:$0x1E900] =	vst v63  }
0x5e: {  	p0 =	sne.s32 s13, $0x4C0;
	s13 =	sadd.s32 $0x20, s13;
	s9 =	sadd.s32 $0x10, s9  }
0x5f: {  	[tilespmem:s1], [sflag:$0x3] =	stream.linear.gather [hbm4b:s9+s4], $0x80, $0x38;
	[tilespmem:$0x1E900] =	vst v63  }
0x60: {  	s15 =	smov.u32 s18;
	_ =	swait.ge [sflag:s28], $0x80  }
0x61: {  	[sflag:s28] =	ssyncset.done $0x0  }
0x62: {  	[sflag:s28] =	ssyncadd.s32 $0xFFFFFF80  }
0x63: {  	_ =	swait.ge [sflag:s6], $0x4000  }
0x64: {  	[sflag:s6] =	ssyncset.done $0x0  }
0x65: {  	[sflag:s6] =	ssyncadd.s32 $0xFFFFC000  }
0x66: {  	[spmem:s3] =	stream.indirect.scatter.add.f32 [tilespmem:s29], [sflag:$0x3], $0x80, s31, s30, $0xb8;
	[tilespmem:$0x1E900] =	vst v63  }
0x67: {  	_ =	swait.ge [sflag:s28], $0x4000  }
0x68: {  	[sflag:s28] =	ssyncset.done $0x0  }
0x69: {  	s9 =	sadd.s32 s11, s25;
	s11 =	smov.u32 s17;
	[sflag:s28] =	ssyncadd.s32 $0xFFFFC000  }
0x6a: {  	[tilespmem:s29], [sflag:$0x1] =	stream.indirect.gather [hbm4b:s5+s30], $0x80, s12, s30, $0xb8;
	[tilespmem:$0x1E900] =	vst v63  }
0x6b: {  	s12 =	smov.u32 s14  }
0x6c: {  	[tilespmem:s31], [sflag:$0x3] =	stream.linear.gather [hbm4b:s9+s4], $0x80, $0x38;
	[tilespmem:$0x1E900] =	vst v63  }
0x6d: {  	_ =	swait.ge [sflag:s28], $0x80  }
0x6e: {  	[sflag:s28] =	ssyncset.done $0x0  }
0x6f: {  	[sflag:s28] =	ssyncadd.s32 $0xFFFFFF80  }
.Ltmp0:
0x70: {  	_ =	swait.ge [sflag:s7], $0x4000;
	(pc) =	sbr.rel @p0 .LBB2_2-.Ltmp0, $4  }
0x71: {  	[sflag:s7] =	ssyncset.done $0x0  }
0x72: {  	s14 =	sadd.s32 $0x100, s14;
	[sflag:s7] =	ssyncadd.s32 $0xFFFFC000  }
0x73: {  	[spmem:s3] =	stream.indirect.scatter.add.f32 [tilespmem:s0], [sflag:$0x3], $0x80, s1, s30, $0xb8;
	[tilespmem:$0x1E900] =	vst v63  }
0x74: {  	s16 =	sand.u32 $0x60, s11;
	s9 =	sadd.s32 s11, s19;
	_ =	swait.ge [sflag:s28], $0x4000  }
0x75: {  	s9 =	sand.u32 $0xFFFFF80, s9;
	s13 =	sadd.s32 s16, s2;
	[sflag:s28] =	ssyncset.done $0x0  }
0x76: {  	s9 =	sadd.s32 s9, s13;
	[sflag:s28] =	ssyncadd.s32 $0xFFFFC000  }
0x77: {  	[tilespmem:s0], [sflag:$0x2] =	stream.indirect.gather [hbm4b:s5+s30], $0x80, s15, s30, $0xb8;
	[tilespmem:$0x1E900] =	vst v63  }
0x78: {  	s9 =	sadd.s32 $0x10, s9  }
0x79: {  	[tilespmem:s1], [sflag:$0x3] =	stream.linear.gather [hbm4b:s9+s4], $0x80, $0x38;
	[tilespmem:$0x1E900] =	vst v63  }
0x7a: {  	_ =	swait.ge [sflag:s28], $0x80  }
0x7b: {  	[sflag:s28] =	ssyncset.done $0x0  }
0x7c: {  	[sflag:s28] =	ssyncadd.s32 $0xFFFFFF80  }
0x7d: {  	_ =	swait.ge [sflag:s6], $0x4000  }
0x7e: {  	[sflag:s6] =	ssyncset.done $0x0  }
0x7f: {  	[sflag:s6] =	ssyncadd.s32 $0xFFFFC000  }
0x80: {  	[spmem:s3] =	stream.indirect.scatter.add.f32 [tilespmem:s29], [sflag:$0x3], $0x80, s31, s30, $0xb8;
	[tilespmem:$0x1E900] =	vst v63  }
0x81: {  	_ =	swait.ge [sflag:s28], $0x4000  }
0x82: {  	[sflag:s28] =	ssyncset.done $0x0  }
0x83: {  	[sflag:s28] =	ssyncadd.s32 $0xFFFFC000  }
0x84: {  	[tilespmem:s29], [sflag:$0x1] =	stream.indirect.gather [hbm4b:s5+s30], $0x80, s12, s30, $0xb8;
	[tilespmem:$0x1E900] =	vst v63  }
0x85: {  	s11 =	sadd.s32 s11, s25  }
0x86: {  	[tilespmem:s31], [sflag:$0x3] =	stream.linear.gather [hbm4b:s11+s4], $0x80, $0x38;
	[tilespmem:$0x1E900] =	vst v63  }
0x87: {  	_ =	swait.ge [sflag:s28], $0x80  }
0x88: {  	[sflag:s28] =	ssyncset.done $0x0  }
0x89: {  	[sflag:s28] =	ssyncadd.s32 $0xFFFFFF80  }
0x8a: {  	_ =	swait.ge [sflag:s7], $0x4000  }
0x8b: {  	[sflag:s7] =	ssyncset.done $0x0  }
0x8c: {  	[sflag:s7] =	ssyncadd.s32 $0xFFFFC000  }
0x8d: {  	[spmem:s3] =	stream.indirect.scatter.add.f32 [tilespmem:s0], [sflag:$0x3], $0x80, s1, s30, $0xb8;
	[tilespmem:$0x1E900] =	vst v63  }
0x8e: {  	_ =	swait.ge [sflag:s28], $0x4000  }
0x8f: {  	[sflag:s28] =	ssyncset.done $0x0  }
0x90: {  	s12 =	simm.s32 $0x2780;
	[sflag:s28] =	ssyncadd.s32 $0xFFFFC000  }
0x91: {  	[tilespmem:s0], [sflag:$0x2] =	stream.indirect.gather [hbm4b:s5+s30], $0x80, s12, s30, $0xb8;
	[tilespmem:$0x1E900] =	vst v63  }
0x92: {  	_ = 	snop  }
0x93: {  	[tilespmem:s1], [sflag:$0x3] =	stream.linear.gather [hbm4b:s26+s4], $0x80, $0x38;
	[tilespmem:$0x1E900] =	vst v63  }
0x94: {  	_ =	swait.ge [sflag:s28], $0x80  }
0x95: {  	[sflag:s28] =	ssyncset.done $0x0  }
0x96: {  	[sflag:s28] =	ssyncadd.s32 $0xFFFFFF80  }
0x97: {  	_ =	swait.ge [sflag:s6], $0x4000  }
0x98: {  	[sflag:s6] =	ssyncset.done $0x0  }
0x99: {  	[sflag:s6] =	ssyncadd.s32 $0xFFFFC000  }
0x9a: {  	[spmem:s3] =	stream.indirect.scatter.add.f32 [tilespmem:s29], [sflag:$0x3], $0x80, s31, s30, $0xb8;
	[tilespmem:$0x1E900] =	vst v63  }
0x9b: {  	_ =	swait.ge [sflag:s28], $0x4000  }
0x9c: {  	[sflag:s28] =	ssyncset.done $0x0  }
0x9d: {  	[sflag:s28] =	ssyncadd.s32 $0xFFFFC000  }
0x9e: {  	_ =	swait.ge [sflag:s7], $0x4000  }
0x9f: {  	[sflag:s7] =	ssyncset.done $0x0  }
0xa0: {  	[sflag:s7] =	ssyncadd.s32 $0xFFFFC000  }
0xa1: {  	[spmem:s3] =	stream.indirect.scatter.add.f32 [tilespmem:s0], [sflag:$0x3], $0x80, s1, s30, $0xb8;
	[tilespmem:$0x1E900] =	vst v63  }
0xa2: {  	_ =	swait.ge [sflag:s28], $0x4000  }
0xa3: {  	[sflag:s28] =	ssyncset.done $0x0  }
0xa4: {  	[sflag:s28] =	ssyncadd.s32 $0xFFFFC000  }
0xa5: {  	[bflag:$0x0] =	sbarrier.arrive $0xFFFF  }
0xa6: {  	[tilespmem:s29], [sflag:$0x3] =	stream.linear.gather [spmem:s8], $0x4000, $0x38;
	[tilespmem:$0x1E900] =	vst v63  }
0xa7: {  	_ =	swait.ge [sflag:s28], $0x4000  }
0xa8: {  	[sflag:s28] =	ssyncset.done $0x0  }
0xa9: {  	s13 =	rddreg [dreg:$0xb];
	[sflag:s28] =	ssyncadd.s32 $0xFFFFC000  }
0xaa: {  	[hbm4b:s13+s4] =	stream.linear.scatter [tilespmem:s29], [sflag:$0x3], $0x4000, $0x38;
	[tilespmem:$0x1E900] =	vst v63  }
0xab: {  	_ =	swait.ge [sflag:s28], $0x4000  }
0xac: {  	[sflag:s28] =	ssyncset.done $0x0  }
0xad: {  	s14 =	rddreg [dreg:$0xc];
	[sflag:s28] =	ssyncadd.s32 $0xFFFFC000  }
0xae: {  	[tilespmem:s29], [sflag:$0x3] =	stream.linear.gather [spmem:s14], $0x4000, $0x38;
	[tilespmem:$0x1E900] =	vst v63  }
0xaf: {  	_ =	swait.ge [sflag:s28], $0x4000  }
0xb0: {  	[sflag:s28] =	ssyncset.done $0x0  }
0xb1: {  	s15 =	rddreg [dreg:$0xd];
	[sflag:s28] =	ssyncadd.s32 $0xFFFFC000  }
0xb2: {  	[hbm4b:s15+s4] =	stream.linear.scatter [tilespmem:s29], [sflag:$0x3], $0x4000, $0x38;
	[tilespmem:$0x1E900] =	vst v63  }
0xb3: {  	_ =	swait.ge [sflag:s28], $0x4000  }
0xb4: {  	[sflag:s28] =	ssyncset.done $0x0  }
0xb5: {  	s16 =	rddreg [dreg:$0xe];
	[sflag:s28] =	ssyncadd.s32 $0xFFFFC000  }
0xb6: {  	[tilespmem:s29], [sflag:$0x3] =	stream.linear.gather [spmem:s16], $0x4000, $0x38;
	[tilespmem:$0x1E900] =	vst v63  }
0xb7: {  	_ =	swait.ge [sflag:s28], $0x4000  }
0xb8: {  	[sflag:s28] =	ssyncset.done $0x0  }
0xb9: {  	s17 =	rddreg [dreg:$0xf];
	[sflag:s28] =	ssyncadd.s32 $0xFFFFC000  }
0xba: {  	[hbm4b:s17+s4] =	stream.linear.scatter [tilespmem:s29], [sflag:$0x3], $0x4000, $0x38;
	[tilespmem:$0x1E900] =	vst v63  }
0xbb: {  	_ =	swait.ge [sflag:s28], $0x4000  }
0xbc: {  	[sflag:s28] =	ssyncset.done $0x0  }
0xbd: {  	[sflag:s28] =	ssyncadd.s32 $0xFFFFC000  }
0xbe: {  	[tilespmem:s29], [sflag:$0x3] =	stream.linear.gather [spmem:s21], $0x4000, $0x38;
	[tilespmem:$0x1E900] =	vst v63  }
0xbf: {  	_ =	swait.ge [sflag:s28], $0x4000  }
0xc0: {  	[sflag:s28] =	ssyncset.done $0x0  }
0xc1: {  	[sflag:s28] =	ssyncadd.s32 $0xFFFFC000  }
0xc2: {  	[hbm4b:s22+s4] =	stream.linear.scatter [tilespmem:s29], [sflag:$0x3], $0x4000, $0x38;
	[tilespmem:$0x1E900] =	vst v63  }
0xc3: {  	_ =	swait.ge [sflag:s28], $0x4000  }
0xc4: {  	[sflag:s28] =	ssyncset.done $0x0  }
0xc5: {  	[sflag:s28] =	ssyncadd.s32 $0xFFFFC000  }
0xc6: {  	[tilespmem:s29], [sflag:$0x3] =	stream.linear.gather [spmem:s23], $0x4000, $0x38;
	[tilespmem:$0x1E900] =	vst v63  }
0xc7: {  	_ =	swait.ge [sflag:s28], $0x4000  }
0xc8: {  	[sflag:s28] =	ssyncset.done $0x0  }
0xc9: {  	[sflag:s28] =	ssyncadd.s32 $0xFFFFC000  }
0xca: {  	[hbm4b:s24+s4] =	stream.linear.scatter [tilespmem:s29], [sflag:$0x3], $0x4000, $0x38;
	[tilespmem:$0x1E900] =	vst v63  }
0xcb: {  	_ =	swait.ge [sflag:s28], $0x4000  }
0xcc: {  	s10 =	sadd.s32 $0x1, s10;
	s18 =	rddreg [dreg:$0x6]  }
0xcd: {  	p0 =	sne.s32 s10, s18  }
.Ltmp1:
0xce: {  	_ = 	snop;
	(pc) =	sbr.rel @p0 .LBB2_1-.Ltmp1, $3  }
0xcf: {  	_ =	sdelay $0x1  }
0xd0: {  	[sflag:s28] =	ssyncset.done $0x0  }
0xd1: {  	[sflag:s28] =	ssyncadd.s32 $0xFFFFC000  }
0xd2: {  	_ =	sfence.sel $0x180000  }
0xd3: {  	[bflag:$0x0] =	sbarrier.arrive $0xFFFF  }
0xd4: {  	_ =	strace $0x9000004A  }
0xd5: {  	s0 =	stileid.u32;
	[bflag:$0x2] =	sbarrier.arrive $0xFFFF  }
0xd6: {  	p0 =	sne.s32 s0, $0x0;
	s0 =	rddreg [dreg:$0x3]  }
0xd7: {  	s0 =	sadd.s32 @!p0 $0x100000, s0  }
0xd8: {  	[sflag:s0] =	ssyncadd.tile.s32 @!p0 $0x1;
	_ =	shalt  }
.Lfunc_end2:
_tile_overlayer_lowered:
.L_overlay_start_2:
0xd9: {  	(tag) =	ssettag $0x2  }
0xda: {  	s0 =	rddreg [dreg:$0x0];
	s2 =	stileid.u32  }
0xdb: {  	s1 =	rddreg [dreg:$0x1];
	p0 =	sne.s32 s2, $0x0  }
0xdc: {  	s3 =	rddreg [dreg:$0x2];
	[bflag:$0x3] =	sbarrier.arrive $0xFFFF;
	s2 =	simm.s32 @!p0 $0x1C03  }
0xdd: {  	[timem:s3], [sflag:s2] =	dma.local @!p0 [hbm:s0], s1  }
0xde: {  	s0 =	simm.s32 @!p0 $0x3  }
0xdf: {  	_ =	swait.ge @!p0 [sflag:s0], s1  }
0xe0: {  	s1 =	ssub.s32 @!p0 $0x0, s1;
	[sflag:s0] =	ssyncset.done @!p0 $0x0  }
0xe1: {  	[sflag:s0] =	ssyncadd.s32 @!p0 s1  }
0xe2: {  	[bflag:$0x3] =	sbarrier.arrive $0xFFFF  }
0xe3: {  	_ =	shalt  }

// kernel: kernel.14.cloned.1.call-start
scs
__scs_entry_jumppad:
0x0: {  	(pc) =	sbr.rel $0x88, $3  }
0x1: {  	(tag) =	ssettag $0x0;
	lr =	simm.s32 $0x1  }
0x2: {  	[smem:$0x3F9B] =	sst lr;
	_ =	strace $0xD0000000  }
0x3: {  	_ = 	snop  }
0x4: {  	_ = 	snop  }
0x5: {  	_ = 	snop  }
0x6: {  	_ = 	snop  }
0x7: {  	_ = 	snop  }
__scs_overlays_trampoline_lowered:
0x8: {  	[smem:$0x3FAA] =	sst s0  }
0x9: {  	[smem:$0x3FAB] =	sst s1  }
0xa: {  	[smem:$0x3FAC] =	sst s2  }
0xb: {  	[smem:$0x3FAD] =	sst s3  }
0xc: {  	[smem:$0x3FAE] =	sst s4  }
0xd: {  	[smem:$0x3FAF] =	sst s5  }
0xe: {  	[smem:$0x3FB0] =	sst s6  }
0xf: {  	[smem:$0x3FB1] =	sst s7  }
0x10: {  	[smem:$0x3FB2] =	sst s8  }
0x11: {  	[smem:$0x3FB3] =	sst s9;
	s0 =	simm.s32 @!p0 $0x0  }
0x12: {  	s1 =	sld [smem:$0x3F99];
	s0 =	simm.s32 @p0 $0x1  }
0x13: {  	[smem:$0x3FB4] =	sst s0;
	s0 =	simm.s32 @!p1 $0x0  }
0x14: {  	s2 =	sld [smem:$0x3F98];
	s0 =	simm.s32 @p1 $0x1  }
0x15: {  	[smem:$0x3FB5] =	sst s0;
	s0 =	simm.s32 @!p2 $0x0  }
0x16: {  	s3 =	sld [smem:$0x3FDB];
	s0 =	simm.s32 @p2 $0x1  }
0x17: {  	s4 =	simm.s32 $0x1BF5;
	[smem:$0x3FB7] =	sst s0  }
0x18: {  	s0 =	sld [smem:$0x3F9A];
	_ =	swait.ge [sflag:s4], $0x0  }
0x19: {  	s7 =	sld [smem:$0x3F9B]  }
0x1a: {  	s8 =	sadd.s32 $0xFFFFE003, lr  }
0x1b: {  	s9 =	sadd.s32 $0xFFFFFEF7, lr;
	s5 =	simm.s32 $0xFFFFFFFF;
	p2 =	slt.u32 s8, $0xFFFFF086  }
0x1c: {  	p1 =	slt.u32 s9, $0xF7A;
	s5 =	simm.s32 @!p2 $0x0  }
0x1d: {  	s5 =	simm.s32 @p1 $0x1;
	p0 =	seq.s32 s7, s2  }
0x1e: {  	s7 =	smul.u32 @!p0 $0xF7A, s2;
	p2 =	seq.s32 @!p0 s5, $0x0  }
0x1f: {  	s9 =	smul.u32 $0xF7A, s1;
	s8 =	simm.s32 @!p0 $0x1BF5;
	p2 =	por !p2, p0  }
0x20: {  	[sflag:s8] =	ssyncset.s32 @!p0 $0xFFFFF086;
	s6 =	sadd.s32 @!p0 s3, s7;
	s7 =	simm.s32 @!p0 $0x108  }
0x21: {  	s3 =	sadd.s32 s3, s9;
	s6 =	sadd.s32 @!p0 $0x88, s6;
	s7 =	simm.s32 @p2 $0x1082  }
0x22: {  	[simem:s7], [sflag:s8] =	dma.local @!p0 [hbm:s6], $0xF7A  }
0x23: {  	s9 =	sor.u32 $0xD0000000, s2;
	s6 =	simm.s32 $0x108;
	_ =	swait.ge @!p0 [sflag:s8], $0x0  }
0x24: {  	s3 =	sadd.s32 $0x88, s3;
	s6 =	simm.s32 @!p1 $0x1082;
	[sflag:s4] =	ssyncset.s32 $0xFFFFF086  }
0x25: {  	[simem:s6], [sflag:s4] =	dma.local [hbm:s3], $0xF7A  }
0x26: {  	[smem:$0x3F9B] =	sst s1;
	(tag) =	ssettag s2;
	_ =	strace s9  }
0x27: {  	s1 =	sld [smem:$0x3FAB]  }
0x28: {  	s2 =	sld [smem:$0x3FAC]  }
0x29: {  	s4 =	sld [smem:$0x3FAE]  }
0x2a: {  	p0 =	seq.s32 s5, $0x0;
	s5 =	sld [smem:$0x3FAF]  }
0x2b: {  	s6 =	sld [smem:$0x3FB0]  }
0x2c: {  	s7 =	sld [smem:$0x3FB1]  }
0x2d: {  	s3 =	simm.s32 $0x108;
	s8 =	sld [smem:$0x3FB2]  }
0x2e: {  	s3 =	simm.s32 @!p0 $0x1082;
	s9 =	sld [smem:$0x3FB3]  }
0x2f: {  	lr =	sadd.s32 s0, s3;
	s0 =	sld [smem:$0x3FAA]  }
0x30: {  	s3 =	sld [smem:$0x3FAD]  }
0x31: {  	[smem:$0x3FB6] =	sst s10  }
0x32: {  	s10 =	sld [smem:$0x3FB4];
	_ =	sdelay $0x3  }
0x33: {  	p0 =	seq.s32 s10, $0x1;
	s10 =	sld [smem:$0x3FB6];
	_ =	sdelay $0x3  }
0x34: {  	[smem:$0x3FB6] =	sst s10  }
0x35: {  	s10 =	sld [smem:$0x3FB5];
	_ =	sdelay $0x3  }
0x36: {  	p1 =	seq.s32 s10, $0x1;
	s10 =	sld [smem:$0x3FB6];
	_ =	sdelay $0x3  }
0x37: {  	[smem:$0x3FB6] =	sst s10  }
0x38: {  	s10 =	sld [smem:$0x3FB7]  }
0x39: {  	_ = 	snop;
	(pc) =	sbr.ind lr, $3  }
0x3a: {  	_ = 	snop  }
0x3b: {  	_ = 	snop  }
0x3c: {  	p2 =	seq.s32 s10, $0x1;
	s10 =	sld [smem:$0x3FB6]  }
0x3d: {  	_ =	shalt  }
0x3e: {  	_ =	shalt  }
0x3f: {  	_ =	shalt  }
0x40: {  	_ =	shalt  }
0x41: {  	_ =	shalt  }
0x42: {  	_ =	shalt  }
0x43: {  	_ =	shalt  }
0x44: {  	_ =	shalt  }
0x45: {  	_ =	shalt  }
0x46: {  	_ =	shalt  }
0x47: {  	_ =	shalt  }
0x48: {  	_ =	shalt  }
0x49: {  	_ =	shalt  }
0x4a: {  	_ =	shalt  }
0x4b: {  	_ =	shalt  }
0x4c: {  	_ =	shalt  }
0x4d: {  	_ =	shalt  }
0x4e: {  	_ =	shalt  }
0x4f: {  	_ =	shalt  }
0x50: {  	_ =	shalt  }
0x51: {  	_ =	shalt  }
0x52: {  	_ =	shalt  }
0x53: {  	_ =	shalt  }
0x54: {  	_ =	shalt  }
0x55: {  	_ =	shalt  }
0x56: {  	_ =	shalt  }
0x57: {  	_ =	shalt  }
0x58: {  	_ =	shalt  }
0x59: {  	_ =	shalt  }
0x5a: {  	_ =	shalt  }
0x5b: {  	_ =	shalt  }
0x5c: {  	_ =	shalt  }
0x5d: {  	_ =	shalt  }
0x5e: {  	_ =	shalt  }
0x5f: {  	_ =	shalt  }
0x60: {  	_ =	shalt  }
0x61: {  	_ =	shalt  }
0x62: {  	_ =	shalt  }
0x63: {  	_ =	shalt  }
0x64: {  	_ =	shalt  }
0x65: {  	_ =	shalt  }
0x66: {  	_ =	shalt  }
0x67: {  	_ =	shalt  }
0x68: {  	_ =	shalt  }
0x69: {  	_ =	shalt  }
0x6a: {  	_ =	shalt  }
0x6b: {  	_ =	shalt  }
0x6c: {  	_ =	shalt  }
0x6d: {  	_ =	shalt  }
0x6e: {  	_ =	shalt  }
0x6f: {  	_ =	shalt  }
0x70: {  	_ =	shalt  }
0x71: {  	_ =	shalt  }
0x72: {  	_ =	shalt  }
0x73: {  	_ =	shalt  }
0x74: {  	_ =	shalt  }
0x75: {  	_ =	shalt  }
0x76: {  	_ =	shalt  }
0x77: {  	_ =	shalt  }
0x78: {  	_ =	shalt  }
0x79: {  	_ =	shalt  }
0x7a: {  	_ =	shalt  }
0x7b: {  	_ =	shalt  }
0x7c: {  	_ =	shalt  }
0x7d: {  	_ =	shalt  }
0x7e: {  	_ =	shalt  }
0x7f: {  	_ =	shalt  }
0x80: {  	_ =	shalt  }
0x81: {  	_ =	shalt  }
0x82: {  	_ =	shalt  }
0x83: {  	_ =	shalt  }
0x84: {  	_ =	shalt  }
0x85: {  	_ =	shalt  }
0x86: {  	_ =	shalt  }
0x87: {  	_ =	shalt  }
.Lfunc_end0:
.L_simem_size_0:
called_computation.2_lowered:
.L_overlay_start_0:
0x88: {  	s2 =	sld [smem:$0x3FD9]  }
0x89: {  	s3 =	sld [smem:$0x3FFE];
	_ =	sdelay $0x1  }
0x8a: {  	s1 =	srdreg.scid  }
0x8b: {  	s0 =	sand.u32 $0x1, s1  }
0x8c: {  	s17 =	sshll.u32 s0, $0xA;
	s2 =	sadd.s32 s3, s2  }
0x8d: {  	s2 =	sadd.s32 s2, s17  }
0x8e: {  	[smem:$0x3FC2] =	sst s2  }
0x8f: {  	_ = 	snop  }
0x90: {  	s2 =	sld [smem:$0x3FD0];
	(tm) =	ssettm $0x1  }
0x91: {  	s18 =	sld [smem:$0x3FFB];
	_ =	sdelay $0x3  }
0x92: {  	_ =	strace s18  }
0x93: {  	s3 =	sld [smem:$0x3FFC];
	_ =	sdelay $0x3  }
0x94: {  	_ =	strace s3  }
0x95: {  	s3 =	sld [smem:$0x3FFD];
	_ =	sdelay $0x3  }
0x96: {  	_ =	strace s3  }
0x97: {  	_ =	strace $0x8FFFFFFF  }
0x98: {  	s19 =	sld [smem:$0x3FDB];
	_ =	sdelay $0x1  }
0x99: {  	s4 =	simm.s32 $_scs_section_size  }
0x9a: {  	s5 =	simm.s32 $_size__tile_overlayer_lowered;
	s6 =	simm.s32 $_tile_overlayer_lowered  }
0x9b: {  	s22 =	simm.s32 $0x1BFF;
	s21 =	sshll.u32 s6, $0x1;
	s3 =	sadd.s32 s4, s19  }
0x9c: {  	s7 =	simm.s32 $0x0;
	s20 =	sshll.u32 s5, $0x1;
	s5 =	sadd.s32 s21, s3  }
0x9d: {  	[timem:s7], [sflag:s22] =	dma.local [hbm:s5], s20  }
0x9e: {  	_ =	swait.ge [sflag:s22], s20  }
0x9f: {  	s4 =	ssub.s32 $0x0, s20;
	[sflag:s22] =	ssyncset.done $0x0  }
0xa0: {  	[sflag:s22] =	ssyncadd.s32 s4;
	_ =	sdelay $0x1  }
0xa1: {  	s23 =	simm.s32 $0x1B8B  }
0xa2: {  	_ =	swait.ge [sflag:s23], $0x1  }
0xa3: {  	[sflag:s23] =	ssyncset.done $0x0  }
0xa4: {  	s25 =	simm.s32 $0x1B8E;
	s24 =	sld [smem:$0x3FFE];
	[sflag:s23] =	ssyncadd.s32 $0xFFFFFFFF  }
0xa5: {  	s26 =	simm.s32 $execute0_lowered;
	[smem:$0x3FD2] =	sst s25  }
0xa6: {  	s5 =	sshll.u32 s26, $0x1;
	_ =	strace $0x8000004C;
	[dreg:$0x1] =	wrdreg $0xFFFFFFFF  }
0xa7: {  	s28 =	simm.s32 $_size_execute0_lowered;
	s3 =	sadd.s32 s3, s5;
	[dreg:$0x0] =	wrdreg $0x0  }
0xa8: {  	s5 =	sshll.u32 s28, $0x1;
	[dreg:$0x2] =	wrdreg s3  }
0xa9: {  	[dreg:$0x3] =	wrdreg s5  }
0xaa: {  	[dreg:$0x4] =	wrdreg $0xC0  }
0xab: {  	_ =	task [dreg:s7], $0x5FFFF  }
0xac: {  	[dreg:$0x1] =	wrdreg $0xFFFFFFFF  }
0xad: {  	[dreg:$0x0] =	wrdreg $0x60  }
0xae: {  	[dreg:$0x2] =	wrdreg s24  }
0xaf: {  	[dreg:$0x3] =	wrdreg s2  }
0xb0: {  	[dreg:$0x4] =	wrdreg $0x69000  }
0xb1: {  	[dreg:$0x5] =	wrdreg $0x9  }
0xb2: {  	_ =	task.clear_ibuf [dreg:s7], $0x6FFFF;
	_ =	strace $0x9000004C  }
0xb3: {  	s29 =	simm.s32 $0x9;
	_ =	strace $0x8000004E  }
0xb4: {  	_ =	swait.ge [sflag:s29], $0x1  }
0xb5: {  	[sflag:s29] =	ssyncadd.s32 $0xFFFFFFFF  }
0xb6: {  	_ =	strace $0x9000004E  }
0xb7: {  	_ =	sfence  }
0xb8: {  	s30 =	sld [smem:$0x0];
	_ =	sdelay $0x2  }
0xb9: {  	s31 =	sshll.u32 s1, $0xD;
	s1 =	sshrl.u32 s1, $0x2  }
0xba: {  	s3 =	sand.u32 $0x4000, s31;
	s1 =	sadd.s32 s1, s30  }
0xbb: {  	s0 =	sor.u32 s3, s0;
	s1 =	sshll.u32 s1, $0x11  }
0xbc: {  	s0 =	sor.u32 s1, s0  }
0xbd: {  	s0 =	sadd.s32 $0x8F2B, s0  }
0xbe: {  	[sflag:s0] =	ssyncadd.remote.s32 $0x1  }
0xbf: {  	_ =	sfence.sel $0xFFFF  }
0xc0: {  	[dreg:$0x0] =	wrdreg $0xFFFFFFFF;
	(pc) =	sbr.abs _section_cstart, $3  }
0xc1: {  	[dreg:$0x1] =	wrdreg $0xFFFFFFFF  }
0xc2: {  	_ =	task.clear_ibuf [dreg:s7], $0x2FFFF;
	_ =	strace $0x9FFFFFFF  }
0xc3: {  	(tm) =	ssettm $0x7FFFFFFF  }
tec
execute0_lowered:
.L_overlay_start_1:
0x0: {  	(tag) =	ssettag $0x1  }
0x1: {  	s0 =	rddreg [dreg:$0x0];
	s1 =	srdreg.scid  }
0x2: {  	s3 =	rddreg [dreg:$0x2];
	s12 =	stileid.u32;
	s4 =	simm.s32 $0x0  }
0x3: {  	s28 =	simm.s32 $0x2900;
	s29 =	simm.s32 $0x80;
	s30 =	simm.s32 $0x2800  }
0x4: {  	s31 =	simm.s32 $0x4900;
	s1 =	sand.u32 $0x1, s1;
	s9 =	smul.u32 $0x28000, s12  }
0x5: {  	[smem:$0x7FF] =	sst s4;
	s5 =	sadd.s32 $0x2000, s0;
	s18 =	smul.u32 $0xA000, s12  }
0x6: {  	s10 =	sadd.s32 $0x84E00, s0;
	s2 =	sshll.u32 s1, $0x4;
	s19 =	smul.u32 $0xA0000, s1  }
0x7: {  	_ =	strace $0x8000004D;
	s6 =	ssub.s32 $0x2, s1;
	s1 =	smul.u32 $0x5000, s1  }
0x8: {  	s2 =	sor.u32 s12, s2;
	s8 =	sshrl.u32 s6, $0x1;
	s17 =	sshrl.u32 s9, $0x2  }
0x9: {  	s11 =	sadd.s32 s18, s3;
	s13 =	sadd.s32 $0x2000, s18;
	s22 =	sadd.s32 $0x4000, s18  }
0xa: {  	s23 =	sadd.s32 $0x6000, s18;
	s9 =	sadd.s32 $0x8000, s18;
	s2 =	smul.u32 $0x500, s2  }
0xb: {  	s6 =	ssub.s32 s6, s8;
	[dreg:$0x5] =	wrdreg s11;
	s11 =	sadd.s32 s19, s18  }
0xc: {  	s14 =	sadd.s32 s19, s13;
	s15 =	sadd.s32 s19, s22;
	s24 =	sadd.s32 s19, s23  }
0xd: {  	s22 =	sadd.s32 s22, s3;
	s23 =	sadd.s32 s23, s3;
	s6 =	smax.u32 s6, $0x1  }
0xe: {  	s20 =	sshrl.u32 s14, $0x3;
	s21 =	sshrl.u32 s15, $0x3;
	s7 =	sadd.s32 s2, s0  }
0xf: {  	s0 =	sadd.s32 $0x16000, s0;
	s8 =	sadd.s32 s10, s2;
	[dreg:$0x6] =	wrdreg s6  }
0x10: {  	s6 =	sshrl.u32 s11, $0x3;
	s2 =	sadd.s32 s19, s9;
	s7 =	sadd.s32 $0x8EE00, s7  }
0x11: {  	s6 =	sadd.s32 s0, s6;
	s15 =	sadd.s32 s0, s21;
	s2 =	sshrl.u32 s2, $0x3  }
0x12: {  	s14 =	smov.u32 s8;
	s21 =	sadd.s32 s13, s3;
	[dreg:$0x4] =	wrdreg s7  }
0x13: {  	s7 =	sadd.s32 s17, s3;
	[dreg:$0x9] =	wrdreg s6;
	s6 =	sadd.s32 s0, s20  }
0x14: {  	s17 =	sadd.s32 s0, s2;
	s20 =	sadd.s32 $0x4F0, s8;
	s2 =	simm.s32 $0x2  }
0x15: {  	s25 =	sadd.s32 $0x2000, s7;
	s26 =	sadd.s32 $0x4000, s7;
	[dreg:$0xa] =	wrdreg s6  }
0x16: {  	s6 =	sshrl.u32 s24, $0x3;
	s18 =	sadd.s32 $0x6000, s7;
	s19 =	sadd.s32 $0x8000, s7  }
0x17: {  	s24 =	sadd.s32 s9, s3;
	[dreg:$0x7] =	wrdreg s25;
	s25 =	smul.u32 $0x500, s12  }
0x18: {  	[dreg:$0x8] =	wrdreg s26;
	s16 =	sadd.s32 s0, s6;
	s26 =	sadd.s32 s1, s10  }
0x19: {  	s1 =	simm.s32 $0x1;
	s6 =	simm.s32 $0x0;
	s0 =	sadd.s32 s25, s26  }
0x1a: {  	s26 =	simm.s32 $0x3;
	s25 =	sadd.s32 $0x20, s0;
	s0 =	simm.s32 $0x2880  }
.LBB2_1:
0x1b: {  	s8 =	rddreg [dreg:$0x4]  }
0x1c: {  	[tilespmem:s4], [sflag:$0x3] =	stream.linear.gather [hbm4b:s8+s4], $0x2800, $0x38;
	[tilespmem:$0x10900] =	vst v63  }
0x1d: {  	_ =	swait.ge [sflag:s26], $0x2800  }
0x1e: {  	[sflag:s26] =	ssyncset.done $0x0  }
0x1f: {  	[sflag:s26] =	ssyncadd.s32 $0xFFFFD800  }
0x20: {  	s9 =	rddreg [dreg:$0x1]  }
0x21: {  	[tilespmem:s28], [sflag:$0x3] =	stream.linear.gather [hbm4b:s9+s4], $0x2000, $0x38;
	[tilespmem:$0x10900] =	vst v63  }
0x22: {  	_ =	swait.ge [sflag:s26], $0x2000  }
0x23: {  	[sflag:s26] =	ssyncset.done $0x0  }
0x24: {  	[sflag:s26] =	ssyncadd.s32 $0xFFFFE000  }
0x25: {  	[spmem:s7] =	stream.linear.scatter [tilespmem:s28], [sflag:$0x3], $0x2000, $0x38;
	[tilespmem:$0x10900] =	vst v63  }
0x26: {  	_ =	swait.ge [sflag:s26], $0x2000  }
0x27: {  	[sflag:s26] =	ssyncset.done $0x0  }
0x28: {  	s10 =	rddreg [dreg:$0x7];
	[sflag:s26] =	ssyncadd.s32 $0xFFFFE000  }
0x29: {  	[spmem:s10] =	stream.linear.scatter [tilespmem:s28], [sflag:$0x3], $0x2000, $0x38;
	[tilespmem:$0x10900] =	vst v63  }
0x2a: {  	_ =	swait.ge [sflag:s26], $0x2000  }
0x2b: {  	[sflag:s26] =	ssyncset.done $0x0  }
0x2c: {  	s11 =	rddreg [dreg:$0x8];
	[sflag:s26] =	ssyncadd.s32 $0xFFFFE000  }
0x2d: {  	[spmem:s11] =	stream.linear.scatter [tilespmem:s28], [sflag:$0x3], $0x2000, $0x38;
	[tilespmem:$0x10900] =	vst v63  }
0x2e: {  	_ =	swait.ge [sflag:s26], $0x2000  }
0x2f: {  	[sflag:s26] =	ssyncset.done $0x0  }
0x30: {  	[sflag:s26] =	ssyncadd.s32 $0xFFFFE000  }
0x31: {  	[spmem:s18] =	stream.linear.scatter [tilespmem:s28], [sflag:$0x3], $0x2000, $0x38;
	[tilespmem:$0x10900] =	vst v63  }
0x32: {  	_ =	swait.ge [sflag:s26], $0x2000  }
0x33: {  	[sflag:s26] =	ssyncset.done $0x0  }
0x34: {  	[sflag:s26] =	ssyncadd.s32 $0xFFFFE000  }
0x35: {  	[spmem:s19] =	stream.linear.scatter [tilespmem:s28], [sflag:$0x3], $0x2000, $0x38;
	[tilespmem:$0x10900] =	vst v63  }
0x36: {  	_ =	swait.ge [sflag:s26], $0x2000  }
0x37: {  	[sflag:s26] =	ssyncset.done $0x0  }
0x38: {  	[sflag:s26] =	ssyncadd.s32 $0xFFFFE000  }
0x39: {  	[bflag:$0x0] =	sbarrier.arrive $0xFFFF  }
0x3a: {  	[tilespmem:s28], [sflag:$0x1] =	stream.indirect.gather [hbm4b:s5+s29], $0x40, s4, s29, $0xb8;
	[tilespmem:$0x10900] =	vst v63  }
0x3b: {  	_ = 	snop  }
0x3c: {  	[tilespmem:s30], [sflag:$0x3] =	stream.linear.gather [hbm4b:s14+s4], $0x80, $0x38;
	[tilespmem:$0x10900] =	vst v63  }
0x3d: {  	_ =	swait.ge [sflag:s26], $0x80  }
0x3e: {  	[sflag:s26] =	ssyncset.done $0x0  }
0x3f: {  	s9 =	simm.s32 $0x80;
	[sflag:s26] =	ssyncadd.s32 $0xFFFFFF80  }
0x40: {  	[tilespmem:s31], [sflag:$0x2] =	stream.indirect.gather [hbm4b:s5+s29], $0x40, s9, s29, $0xb8;
	[tilespmem:$0x10900] =	vst v63  }
0x41: {  	s12 =	sadd.s32 $0xFFFFFFF0, s25  }
0x42: {  	[tilespmem:s0], [sflag:$0x3] =	stream.linear.gather [hbm4b:s12+s4], $0x80, $0x38;
	[tilespmem:$0x10900] =	vst v63  }
0x43: {  	_ =	swait.ge [sflag:s26], $0x80  }
0x44: {  	[sflag:s26] =	ssyncset.done $0x0  }
0x45: {  	[sflag:s26] =	ssyncadd.s32 $0xFFFFFF80  }
0x46: {  	_ =	swait.ge [sflag:s1], $0x2000  }
0x47: {  	[sflag:s1] =	ssyncset.done $0x0  }
0x48: {  	[sflag:s1] =	ssyncadd.s32 $0xFFFFE000  }
0x49: {  	[spmem:s3] =	stream.indirect.scatter.add.f32 [tilespmem:s28], [sflag:$0x3], $0x40, s30, s29, $0xb8;
	[tilespmem:$0x10900] =	vst v63  }
0x4a: {  	_ =	swait.ge [sflag:s26], $0x2000  }
0x4b: {  	[sflag:s26] =	ssyncset.done $0x0  }
0x4c: {  	s13 =	simm.s32 $0x100;
	[sflag:s26] =	ssyncadd.s32 $0xFFFFE000  }
0x4d: {  	[tilespmem:s28], [sflag:$0x1] =	stream.indirect.gather [hbm4b:s5+s29], $0x40, s13, s29, $0xb8;
	[tilespmem:$0x10900] =	vst v63  }
0x4e: {  	_ = 	snop  }
0x4f: {  	[tilespmem:s30], [sflag:$0x3] =	stream.linear.gather [hbm4b:s25+s4], $0x80, $0x38;
	[tilespmem:$0x10900] =	vst v63  }
0x50: {  	_ =	swait.ge [sflag:s26], $0x80  }
0x51: {  	[sflag:s26] =	ssyncset.done $0x0  }
0x52: {  	[sflag:s26] =	ssyncadd.s32 $0xFFFFFF80  }
0x53: {  	_ =	swait.ge [sflag:s2], $0x2000  }
0x54: {  	[sflag:s2] =	ssyncset.done $0x0  }
0x55: {  	[sflag:s2] =	ssyncadd.s32 $0xFFFFE000  }
0x56: {  	[spmem:s3] =	stream.indirect.scatter.add.f32 [tilespmem:s31], [sflag:$0x3], $0x40, s0, s29, $0xb8;
	[tilespmem:$0x10900] =	vst v63  }
0x57: {  	s10 =	simm.s32 $0x100;
	_ =	swait.ge [sflag:s26], $0x2000  }
0x58: {  	s11 =	simm.s32 $0x800;
	s9 =	sadd.s32 $0x20, s25;
	[sflag:s26] =	ssyncset.done $0x0  }
.LBB2_2:
0x59: {  	s12 =	sadd.s32 $0x80, s10  }
0x5a: {  	[sflag:s26] =	ssyncadd.s32 $0xFFFFE000;
	s8 =	smov.u32 s11;
	s13 =	sadd.s32 $0x400, s11  }
0x5b: {  	[tilespmem:s31], [sflag:$0x2] =	stream.indirect.gather [hbm4b:s5+s29], $0x40, s12, s29, $0xb8;
	[tilespmem:$0x10900] =	vst v63  }
0x5c: {  	p0 =	sne.s32 s11, $0x9800;
	s11 =	sadd.s32 $0xFFFFFFF0, s9  }
0x5d: {  	[tilespmem:s0], [sflag:$0x3] =	stream.linear.gather [hbm4b:s11+s4], $0x80, $0x38;
	[tilespmem:$0x10900] =	vst v63  }
0x5e: {  	_ =	swait.ge [sflag:s26], $0x80  }
0x5f: {  	[sflag:s26] =	ssyncset.done $0x0  }
0x60: {  	[sflag:s26] =	ssyncadd.s32 $0xFFFFFF80  }
0x61: {  	_ =	swait.ge [sflag:s1], $0x2000  }
0x62: {  	[sflag:s1] =	ssyncset.done $0x0  }
0x63: {  	[sflag:s1] =	ssyncadd.s32 $0xFFFFE000  }
0x64: {  	[spmem:s3] =	stream.indirect.scatter.add.f32 [tilespmem:s28], [sflag:$0x3], $0x40, s30, s29, $0xb8;
	[tilespmem:$0x10900] =	vst v63  }
0x65: {  	_ =	swait.ge [sflag:s26], $0x2000  }
0x66: {  	[sflag:s26] =	ssyncset.done $0x0  }
0x67: {  	s10 =	sadd.s32 $0x100, s10;
	[sflag:s26] =	ssyncadd.s32 $0xFFFFE000  }
0x68: {  	[tilespmem:s28], [sflag:$0x1] =	stream.indirect.gather [hbm4b:s5+s29], $0x40, s10, s29, $0xb8;
	[tilespmem:$0x10900] =	vst v63  }
0x69: {  	_ = 	snop  }
0x6a: {  	[tilespmem:s30], [sflag:$0x3] =	stream.linear.gather [hbm4b:s9+s4], $0x80, $0x38;
	[tilespmem:$0x10900] =	vst v63  }
0x6b: {  	_ =	swait.ge [sflag:s26], $0x80  }
0x6c: {  	[sflag:s26] =	ssyncset.done $0x0  }
0x6d: {  	[sflag:s26] =	ssyncadd.s32 $0xFFFFFF80  }
0x6e: {  	_ =	swait.ge [sflag:s2], $0x2000  }
.Ltmp0:
0x6f: {  	[sflag:s2] =	ssyncset.done $0x0;
	(pc) =	sbr.rel @p0 .LBB2_2-.Ltmp0, $4  }
0x70: {  	[sflag:s2] =	ssyncadd.s32 $0xFFFFE000  }
0x71: {  	[spmem:s3] =	stream.indirect.scatter.add.f32 [tilespmem:s31], [sflag:$0x3], $0x40, s0, s29, $0xb8;
	[tilespmem:$0x10900] =	vst v63  }
0x72: {  	s11 =	smov.u32 s13;
	_ =	swait.ge [sflag:s26], $0x2000  }
0x73: {  	s10 =	sshra.s32 s8, $0x2;
	s9 =	sadd.s32 $0x20, s9;
	[sflag:s26] =	ssyncset.done $0x0  }
0x74: {  	s8 =	sadd.s32 $0x80, s10;
	[sflag:s26] =	ssyncadd.s32 $0xFFFFE000  }
0x75: {  	[tilespmem:s31], [sflag:$0x2] =	stream.indirect.gather [hbm4b:s5+s29], $0x40, s8, s29, $0xb8;
	[tilespmem:$0x10900] =	vst v63  }
0x76: {  	s12 =	sadd.s32 $0xFFFFFFF0, s9  }
0x77: {  	[tilespmem:s0], [sflag:$0x3] =	stream.linear.gather [hbm4b:s12+s4], $0x80, $0x38;
	[tilespmem:$0x10900] =	vst v63  }
0x78: {  	_ =	swait.ge [sflag:s26], $0x80  }
0x79: {  	[sflag:s26] =	ssyncset.done $0x0  }
0x7a: {  	[sflag:s26] =	ssyncadd.s32 $0xFFFFFF80  }
0x7b: {  	_ =	swait.ge [sflag:s1], $0x2000  }
0x7c: {  	[sflag:s1] =	ssyncset.done $0x0  }
0x7d: {  	[sflag:s1] =	ssyncadd.s32 $0xFFFFE000  }
0x7e: {  	[spmem:s3] =	stream.indirect.scatter.add.f32 [tilespmem:s28], [sflag:$0x3], $0x40, s30, s29, $0xb8;
	[tilespmem:$0x10900] =	vst v63  }
0x7f: {  	_ =	swait.ge [sflag:s26], $0x2000  }
0x80: {  	[sflag:s26] =	ssyncset.done $0x0  }
0x81: {  	s13 =	sadd.s32 $0x100, s10;
	[sflag:s26] =	ssyncadd.s32 $0xFFFFE000  }
0x82: {  	[tilespmem:s28], [sflag:$0x1] =	stream.indirect.gather [hbm4b:s5+s29], $0x40, s13, s29, $0xb8;
	[tilespmem:$0x10900] =	vst v63  }
0x83: {  	_ = 	snop  }
0x84: {  	[tilespmem:s30], [sflag:$0x3] =	stream.linear.gather [hbm4b:s9+s4], $0x80, $0x38;
	[tilespmem:$0x10900] =	vst v63  }
0x85: {  	_ =	swait.ge [sflag:s26], $0x80  }
0x86: {  	[sflag:s26] =	ssyncset.done $0x0  }
0x87: {  	[sflag:s26] =	ssyncadd.s32 $0xFFFFFF80  }
0x88: {  	_ =	swait.ge [sflag:s2], $0x2000  }
0x89: {  	[sflag:s2] =	ssyncset.done $0x0  }
0x8a: {  	[sflag:s2] =	ssyncadd.s32 $0xFFFFE000  }
0x8b: {  	[spmem:s3] =	stream.indirect.scatter.add.f32 [tilespmem:s31], [sflag:$0x3], $0x40, s0, s29, $0xb8;
	[tilespmem:$0x10900] =	vst v63  }
0x8c: {  	_ =	swait.ge [sflag:s26], $0x2000  }
0x8d: {  	[sflag:s26] =	ssyncset.done $0x0  }
0x8e: {  	s9 =	simm.s32 $0x2780;
	[sflag:s26] =	ssyncadd.s32 $0xFFFFE000  }
0x8f: {  	[tilespmem:s31], [sflag:$0x2] =	stream.indirect.gather [hbm4b:s5+s29], $0x40, s9, s29, $0xb8;
	[tilespmem:$0x10900] =	vst v63  }
0x90: {  	_ = 	snop  }
0x91: {  	[tilespmem:s0], [sflag:$0x3] =	stream.linear.gather [hbm4b:s20+s4], $0x80, $0x38;
	[tilespmem:$0x10900] =	vst v63  }
0x92: {  	_ =	swait.ge [sflag:s26], $0x80  }
0x93: {  	[sflag:s26] =	ssyncset.done $0x0  }
0x94: {  	[sflag:s26] =	ssyncadd.s32 $0xFFFFFF80  }
0x95: {  	_ =	swait.ge [sflag:s1], $0x2000  }
0x96: {  	[sflag:s1] =	ssyncset.done $0x0  }
0x97: {  	[sflag:s1] =	ssyncadd.s32 $0xFFFFE000  }
0x98: {  	[spmem:s3] =	stream.indirect.scatter.add.f32 [tilespmem:s28], [sflag:$0x3], $0x40, s30, s29, $0xb8;
	[tilespmem:$0x10900] =	vst v63  }
0x99: {  	_ =	swait.ge [sflag:s26], $0x2000  }
0x9a: {  	[sflag:s26] =	ssyncset.done $0x0  }
0x9b: {  	[sflag:s26] =	ssyncadd.s32 $0xFFFFE000  }
0x9c: {  	_ =	swait.ge [sflag:s2], $0x2000  }
0x9d: {  	[sflag:s2] =	ssyncset.done $0x0  }
0x9e: {  	[sflag:s2] =	ssyncadd.s32 $0xFFFFE000  }
0x9f: {  	[spmem:s3] =	stream.indirect.scatter.add.f32 [tilespmem:s31], [sflag:$0x3], $0x40, s0, s29, $0xb8;
	[tilespmem:$0x10900] =	vst v63  }
0xa0: {  	_ =	swait.ge [sflag:s26], $0x2000  }
0xa1: {  	[sflag:s26] =	ssyncset.done $0x0  }
0xa2: {  	[sflag:s26] =	ssyncadd.s32 $0xFFFFE000  }
0xa3: {  	[bflag:$0x0] =	sbarrier.arrive $0xFFFF  }
0xa4: {  	s10 =	rddreg [dreg:$0x5]  }
0xa5: {  	[tilespmem:s28], [sflag:$0x3] =	stream.linear.gather [spmem:s10], $0x2000, $0x38;
	[tilespmem:$0x10900] =	vst v63  }
0xa6: {  	_ =	swait.ge [sflag:s26], $0x2000  }
0xa7: {  	[sflag:s26] =	ssyncset.done $0x0  }
0xa8: {  	s11 =	rddreg [dreg:$0x9];
	[sflag:s26] =	ssyncadd.s32 $0xFFFFE000  }
0xa9: {  	[hbm4b:s11+s4] =	stream.linear.scatter [tilespmem:s28], [sflag:$0x3], $0x2000, $0x38;
	[tilespmem:$0x10900] =	vst v63  }
0xaa: {  	_ =	swait.ge [sflag:s26], $0x2000  }
0xab: {  	[sflag:s26] =	ssyncset.done $0x0  }
0xac: {  	[sflag:s26] =	ssyncadd.s32 $0xFFFFE000  }
0xad: {  	[tilespmem:s28], [sflag:$0x3] =	stream.linear.gather [spmem:s21], $0x2000, $0x38;
	[tilespmem:$0x10900] =	vst v63  }
0xae: {  	_ =	swait.ge [sflag:s26], $0x2000  }
0xaf: {  	[sflag:s26] =	ssyncset.done $0x0  }
0xb0: {  	s12 =	rddreg [dreg:$0xa];
	[sflag:s26] =	ssyncadd.s32 $0xFFFFE000  }
0xb1: {  	[hbm4b:s12+s4] =	stream.linear.scatter [tilespmem:s28], [sflag:$0x3], $0x2000, $0x38;
	[tilespmem:$0x10900] =	vst v63  }
0xb2: {  	_ =	swait.ge [sflag:s26], $0x2000  }
0xb3: {  	[sflag:s26] =	ssyncset.done $0x0  }
0xb4: {  	[sflag:s26] =	ssyncadd.s32 $0xFFFFE000  }
0xb5: {  	[tilespmem:s28], [sflag:$0x3] =	stream.linear.gather [spmem:s22], $0x2000, $0x38;
	[tilespmem:$0x10900] =	vst v63  }
0xb6: {  	_ =	swait.ge [sflag:s26], $0x2000  }
0xb7: {  	[sflag:s26] =	ssyncset.done $0x0  }
0xb8: {  	[sflag:s26] =	ssyncadd.s32 $0xFFFFE000  }
0xb9: {  	[hbm4b:s15+s4] =	stream.linear.scatter [tilespmem:s28], [sflag:$0x3], $0x2000, $0x38;
	[tilespmem:$0x10900] =	vst v63  }
0xba: {  	_ =	swait.ge [sflag:s26], $0x2000  }
0xbb: {  	[sflag:s26] =	ssyncset.done $0x0  }
0xbc: {  	[sflag:s26] =	ssyncadd.s32 $0xFFFFE000  }
0xbd: {  	[tilespmem:s28], [sflag:$0x3] =	stream.linear.gather [spmem:s23], $0x2000, $0x38;
	[tilespmem:$0x10900] =	vst v63  }
0xbe: {  	_ =	swait.ge [sflag:s26], $0x2000  }
0xbf: {  	[sflag:s26] =	ssyncset.done $0x0  }
0xc0: {  	[sflag:s26] =	ssyncadd.s32 $0xFFFFE000  }
0xc1: {  	[hbm4b:s16+s4] =	stream.linear.scatter [tilespmem:s28], [sflag:$0x3], $0x2000, $0x38;
	[tilespmem:$0x10900] =	vst v63  }
0xc2: {  	_ =	swait.ge [sflag:s26], $0x2000  }
0xc3: {  	[sflag:s26] =	ssyncset.done $0x0  }
0xc4: {  	[sflag:s26] =	ssyncadd.s32 $0xFFFFE000  }
0xc5: {  	[tilespmem:s28], [sflag:$0x3] =	stream.linear.gather [spmem:s24], $0x2000, $0x38;
	[tilespmem:$0x10900] =	vst v63  }
0xc6: {  	_ =	swait.ge [sflag:s26], $0x2000  }
0xc7: {  	[sflag:s26] =	ssyncset.done $0x0  }
0xc8: {  	[sflag:s26] =	ssyncadd.s32 $0xFFFFE000  }
0xc9: {  	[hbm4b:s17+s4] =	stream.linear.scatter [tilespmem:s28], [sflag:$0x3], $0x2000, $0x38;
	[tilespmem:$0x10900] =	vst v63  }
0xca: {  	_ =	swait.ge [sflag:s26], $0x2000  }
0xcb: {  	s6 =	sadd.s32 $0x1, s6;
	s13 =	rddreg [dreg:$0x6]  }
0xcc: {  	p0 =	sne.s32 s6, s13  }
.Ltmp1:
0xcd: {  	_ = 	snop;
	(pc) =	sbr.rel @p0 .LBB2_1-.Ltmp1, $3  }
0xce: {  	_ =	sdelay $0x1  }
0xcf: {  	[sflag:s26] =	ssyncset.done $0x0  }
0xd0: {  	[sflag:s26] =	ssyncadd.s32 $0xFFFFE000  }
0xd1: {  	_ =	sfence.sel $0x180000  }
0xd2: {  	[bflag:$0x0] =	sbarrier.arrive $0xFFFF  }
0xd3: {  	_ =	strace $0x9000004D  }
0xd4: {  	s0 =	stileid.u32;
	[bflag:$0x2] =	sbarrier.arrive $0xFFFF  }
0xd5: {  	p0 =	sne.s32 s0, $0x0;
	s0 =	rddreg [dreg:$0x3]  }
0xd6: {  	s0 =	sadd.s32 @!p0 $0x100000, s0  }
0xd7: {  	[sflag:s0] =	ssyncadd.tile.s32 @!p0 $0x1;
	_ =	shalt  }
.Lfunc_end2:
_tile_overlayer_lowered:
.L_overlay_start_2:
0xd8: {  	(tag) =	ssettag $0x2  }
0xd9: {  	s0 =	rddreg [dreg:$0x0];
	s2 =	stileid.u32  }
0xda: {  	s1 =	rddreg [dreg:$0x1];
	p0 =	sne.s32 s2, $0x0  }
0xdb: {  	s3 =	rddreg [dreg:$0x2];
	[bflag:$0x3] =	sbarrier.arrive $0xFFFF;
	s2 =	simm.s32 @!p0 $0x1C03  }
0xdc: {  	[timem:s3], [sflag:s2] =	dma.local @!p0 [hbm:s0], s1  }
0xdd: {  	s0 =	simm.s32 @!p0 $0x3  }
0xde: {  	_ =	swait.ge @!p0 [sflag:s0], s1  }
0xdf: {  	s1 =	ssub.s32 @!p0 $0x0, s1;
	[sflag:s0] =	ssyncset.done @!p0 $0x0  }
0xe0: {  	[sflag:s0] =	ssyncadd.s32 @!p0 s1  }
0xe1: {  	[bflag:$0x3] =	sbarrier.arrive $0xFFFF  }
0xe2: {  	_ =	shalt  }

// kernel: kernel.8.cloned.1.call-start
scs
__scs_entry_jumppad:
0x0: {  	(pc) =	sbr.rel $0x88, $3  }
0x1: {  	(tag) =	ssettag $0x0;
	lr =	simm.s32 $0x1  }
0x2: {  	[smem:$0x3F9B] =	sst lr;
	_ =	strace $0xD0000000  }
0x3: {  	_ = 	snop  }
0x4: {  	_ = 	snop  }
0x5: {  	_ = 	snop  }
0x6: {  	_ = 	snop  }
0x7: {  	_ = 	snop  }
__scs_overlays_trampoline_lowered:
0x8: {  	[smem:$0x3FAA] =	sst s0  }
0x9: {  	[smem:$0x3FAB] =	sst s1  }
0xa: {  	[smem:$0x3FAC] =	sst s2  }
0xb: {  	[smem:$0x3FAD] =	sst s3  }
0xc: {  	[smem:$0x3FAE] =	sst s4  }
0xd: {  	[smem:$0x3FAF] =	sst s5  }
0xe: {  	[smem:$0x3FB0] =	sst s6  }
0xf: {  	[smem:$0x3FB1] =	sst s7  }
0x10: {  	[smem:$0x3FB2] =	sst s8  }
0x11: {  	[smem:$0x3FB3] =	sst s9;
	s0 =	simm.s32 @!p0 $0x0  }
0x12: {  	s1 =	sld [smem:$0x3F99];
	s0 =	simm.s32 @p0 $0x1  }
0x13: {  	[smem:$0x3FB4] =	sst s0;
	s0 =	simm.s32 @!p1 $0x0  }
0x14: {  	s2 =	sld [smem:$0x3F98];
	s0 =	simm.s32 @p1 $0x1  }
0x15: {  	[smem:$0x3FB5] =	sst s0;
	s0 =	simm.s32 @!p2 $0x0  }
0x16: {  	s3 =	sld [smem:$0x3FDB];
	s0 =	simm.s32 @p2 $0x1  }
0x17: {  	s4 =	simm.s32 $0x1BF5;
	[smem:$0x3FB7] =	sst s0  }
0x18: {  	s0 =	sld [smem:$0x3F9A];
	_ =	swait.ge [sflag:s4], $0x0  }
0x19: {  	s7 =	sld [smem:$0x3F9B]  }
0x1a: {  	s8 =	sadd.s32 $0xFFFFE003, lr  }
0x1b: {  	s9 =	sadd.s32 $0xFFFFFEF7, lr;
	s5 =	simm.s32 $0xFFFFFFFF;
	p2 =	slt.u32 s8, $0xFFFFF086  }
0x1c: {  	p1 =	slt.u32 s9, $0xF7A;
	s5 =	simm.s32 @!p2 $0x0  }
0x1d: {  	s5 =	simm.s32 @p1 $0x1;
	p0 =	seq.s32 s7, s2  }
0x1e: {  	s7 =	smul.u32 @!p0 $0xF7A, s2;
	p2 =	seq.s32 @!p0 s5, $0x0  }
0x1f: {  	s9 =	smul.u32 $0xF7A, s1;
	s8 =	simm.s32 @!p0 $0x1BF5;
	p2 =	por !p2, p0  }
0x20: {  	[sflag:s8] =	ssyncset.s32 @!p0 $0xFFFFF086;
	s6 =	sadd.s32 @!p0 s3, s7;
	s7 =	simm.s32 @!p0 $0x108  }
0x21: {  	s3 =	sadd.s32 s3, s9;
	s6 =	sadd.s32 @!p0 $0x88, s6;
	s7 =	simm.s32 @p2 $0x1082  }
0x22: {  	[simem:s7], [sflag:s8] =	dma.local @!p0 [hbm:s6], $0xF7A  }
0x23: {  	s9 =	sor.u32 $0xD0000000, s2;
	s6 =	simm.s32 $0x108;
	_ =	swait.ge @!p0 [sflag:s8], $0x0  }
0x24: {  	s3 =	sadd.s32 $0x88, s3;
	s6 =	simm.s32 @!p1 $0x1082;
	[sflag:s4] =	ssyncset.s32 $0xFFFFF086  }
0x25: {  	[simem:s6], [sflag:s4] =	dma.local [hbm:s3], $0xF7A  }
0x26: {  	[smem:$0x3F9B] =	sst s1;
	(tag) =	ssettag s2;
	_ =	strace s9  }
0x27: {  	s1 =	sld [smem:$0x3FAB]  }
0x28: {  	s2 =	sld [smem:$0x3FAC]  }
0x29: {  	s4 =	sld [smem:$0x3FAE]  }
0x2a: {  	p0 =	seq.s32 s5, $0x0;
	s5 =	sld [smem:$0x3FAF]  }
0x2b: {  	s6 =	sld [smem:$0x3FB0]  }
0x2c: {  	s7 =	sld [smem:$0x3FB1]  }
0x2d: {  	s3 =	simm.s32 $0x108;
	s8 =	sld [smem:$0x3FB2]  }
0x2e: {  	s3 =	simm.s32 @!p0 $0x1082;
	s9 =	sld [smem:$0x3FB3]  }
0x2f: {  	lr =	sadd.s32 s0, s3;
	s0 =	sld [smem:$0x3FAA]  }
0x30: {  	s3 =	sld [smem:$0x3FAD]  }
0x31: {  	[smem:$0x3FB6] =	sst s10  }
0x32: {  	s10 =	sld [smem:$0x3FB4];
	_ =	sdelay $0x3  }
0x33: {  	p0 =	seq.s32 s10, $0x1;
	s10 =	sld [smem:$0x3FB6];
	_ =	sdelay $0x3  }
0x34: {  	[smem:$0x3FB6] =	sst s10  }
0x35: {  	s10 =	sld [smem:$0x3FB5];
	_ =	sdelay $0x3  }
0x36: {  	p1 =	seq.s32 s10, $0x1;
	s10 =	sld [smem:$0x3FB6];
	_ =	sdelay $0x3  }
0x37: {  	[smem:$0x3FB6] =	sst s10  }
0x38: {  	s10 =	sld [smem:$0x3FB7]  }
0x39: {  	_ = 	snop;
	(pc) =	sbr.ind lr, $3  }
0x3a: {  	_ = 	snop  }
0x3b: {  	_ = 	snop  }
0x3c: {  	p2 =	seq.s32 s10, $0x1;
	s10 =	sld [smem:$0x3FB6]  }
0x3d: {  	_ =	shalt  }
0x3e: {  	_ =	shalt  }
0x3f: {  	_ =	shalt  }
0x40: {  	_ =	shalt  }
0x41: {  	_ =	shalt  }
0x42: {  	_ =	shalt  }
0x43: {  	_ =	shalt  }
0x44: {  	_ =	shalt  }
0x45: {  	_ =	shalt  }
0x46: {  	_ =	shalt  }
0x47: {  	_ =	shalt  }
0x48: {  	_ =	shalt  }
0x49: {  	_ =	shalt  }
0x4a: {  	_ =	shalt  }
0x4b: {  	_ =	shalt  }
0x4c: {  	_ =	shalt  }
0x4d: {  	_ =	shalt  }
0x4e: {  	_ =	shalt  }
0x4f: {  	_ =	shalt  }
0x50: {  	_ =	shalt  }
0x51: {  	_ =	shalt  }
0x52: {  	_ =	shalt  }
0x53: {  	_ =	shalt  }
0x54: {  	_ =	shalt  }
0x55: {  	_ =	shalt  }
0x56: {  	_ =	shalt  }
0x57: {  	_ =	shalt  }
0x58: {  	_ =	shalt  }
0x59: {  	_ =	shalt  }
0x5a: {  	_ =	shalt  }
0x5b: {  	_ =	shalt  }
0x5c: {  	_ =	shalt  }
0x5d: {  	_ =	shalt  }
0x5e: {  	_ =	shalt  }
0x5f: {  	_ =	shalt  }
0x60: {  	_ =	shalt  }
0x61: {  	_ =	shalt  }
0x62: {  	_ =	shalt  }
0x63: {  	_ =	shalt  }
0x64: {  	_ =	shalt  }
0x65: {  	_ =	shalt  }
0x66: {  	_ =	shalt  }
0x67: {  	_ =	shalt  }
0x68: {  	_ =	shalt  }
0x69: {  	_ =	shalt  }
0x6a: {  	_ =	shalt  }
0x6b: {  	_ =	shalt  }
0x6c: {  	_ =	shalt  }
0x6d: {  	_ =	shalt  }
0x6e: {  	_ =	shalt  }
0x6f: {  	_ =	shalt  }
0x70: {  	_ =	shalt  }
0x71: {  	_ =	shalt  }
0x72: {  	_ =	shalt  }
0x73: {  	_ =	shalt  }
0x74: {  	_ =	shalt  }
0x75: {  	_ =	shalt  }
0x76: {  	_ =	shalt  }
0x77: {  	_ =	shalt  }
0x78: {  	_ =	shalt  }
0x79: {  	_ =	shalt  }
0x7a: {  	_ =	shalt  }
0x7b: {  	_ =	shalt  }
0x7c: {  	_ =	shalt  }
0x7d: {  	_ =	shalt  }
0x7e: {  	_ =	shalt  }
0x7f: {  	_ =	shalt  }
0x80: {  	_ =	shalt  }
0x81: {  	_ =	shalt  }
0x82: {  	_ =	shalt  }
0x83: {  	_ =	shalt  }
0x84: {  	_ =	shalt  }
0x85: {  	_ =	shalt  }
0x86: {  	_ =	shalt  }
0x87: {  	_ =	shalt  }
.Lfunc_end0:
.L_simem_size_0:
called_computation_lowered:
.L_overlay_start_0:
0x88: {  	s2 =	sld [smem:$0x3FD9]  }
0x89: {  	s3 =	sld [smem:$0x3FFE];
	_ =	sdelay $0x1  }
0x8a: {  	s1 =	srdreg.scid  }
0x8b: {  	s0 =	sand.u32 $0x1, s1  }
0x8c: {  	s17 =	sshll.u32 s0, $0xA;
	s2 =	sadd.s32 s3, s2  }
0x8d: {  	s2 =	sadd.s32 s2, s17  }
0x8e: {  	[smem:$0x3FC2] =	sst s2  }
0x8f: {  	_ = 	snop  }
0x90: {  	s2 =	sld [smem:$0x3FD0];
	(tm) =	ssettm $0x1  }
0x91: {  	s18 =	sld [smem:$0x3FFB];
	_ =	sdelay $0x3  }
0x92: {  	_ =	strace s18  }
0x93: {  	s3 =	sld [smem:$0x3FFC];
	_ =	sdelay $0x3  }
0x94: {  	_ =	strace s3  }
0x95: {  	s3 =	sld [smem:$0x3FFD];
	_ =	sdelay $0x3  }
0x96: {  	_ =	strace s3  }
0x97: {  	_ =	strace $0x8FFFFFFF  }
0x98: {  	s19 =	sld [smem:$0x3FDB];
	_ =	sdelay $0x1  }
0x99: {  	s4 =	simm.s32 $_scs_section_size  }
0x9a: {  	s5 =	simm.s32 $_size__tile_overlayer_lowered;
	s6 =	simm.s32 $_tile_overlayer_lowered  }
0x9b: {  	s22 =	simm.s32 $0x1BFF;
	s21 =	sshll.u32 s6, $0x1;
	s3 =	sadd.s32 s4, s19  }
0x9c: {  	s7 =	simm.s32 $0x0;
	s20 =	sshll.u32 s5, $0x1;
	s5 =	sadd.s32 s21, s3  }
0x9d: {  	[timem:s7], [sflag:s22] =	dma.local [hbm:s5], s20  }
0x9e: {  	_ =	swait.ge [sflag:s22], s20  }
0x9f: {  	s4 =	ssub.s32 $0x0, s20;
	[sflag:s22] =	ssyncset.done $0x0  }
0xa0: {  	[sflag:s22] =	ssyncadd.s32 s4;
	_ =	sdelay $0x1  }
0xa1: {  	s23 =	simm.s32 $0x1B8B  }
0xa2: {  	_ =	swait.ge [sflag:s23], $0x1  }
0xa3: {  	[sflag:s23] =	ssyncset.done $0x0  }
0xa4: {  	s25 =	simm.s32 $0x1B8E;
	s24 =	sld [smem:$0x3FFE];
	[sflag:s23] =	ssyncadd.s32 $0xFFFFFFFF  }
0xa5: {  	s26 =	simm.s32 $execute0_lowered;
	[smem:$0x3FD2] =	sst s25  }
0xa6: {  	s5 =	sshll.u32 s26, $0x1;
	_ =	strace $0x80000046;
	[dreg:$0x1] =	wrdreg $0xFFFFFFFF  }
0xa7: {  	s28 =	simm.s32 $_size_execute0_lowered;
	s3 =	sadd.s32 s3, s5;
	[dreg:$0x0] =	wrdreg $0x0  }
0xa8: {  	s5 =	sshll.u32 s28, $0x1;
	[dreg:$0x2] =	wrdreg s3  }
0xa9: {  	[dreg:$0x3] =	wrdreg s5  }
0xaa: {  	[dreg:$0x4] =	wrdreg $0xC0  }
0xab: {  	_ =	task [dreg:s7], $0x5FFFF  }
0xac: {  	[dreg:$0x1] =	wrdreg $0xFFFFFFFF  }
0xad: {  	[dreg:$0x0] =	wrdreg $0x60  }
0xae: {  	[dreg:$0x2] =	wrdreg s2  }
0xaf: {  	[dreg:$0x3] =	wrdreg s24  }
0xb0: {  	[dreg:$0x4] =	wrdreg $0x2B000  }
0xb1: {  	[dreg:$0x5] =	wrdreg $0x9  }
0xb2: {  	_ =	task.clear_ibuf [dreg:s7], $0x6FFFF;
	_ =	strace $0x90000046  }
0xb3: {  	s29 =	simm.s32 $0x9;
	_ =	strace $0x80000048  }
0xb4: {  	_ =	swait.ge [sflag:s29], $0x1  }
0xb5: {  	[sflag:s29] =	ssyncadd.s32 $0xFFFFFFFF  }
0xb6: {  	_ =	strace $0x90000048  }
0xb7: {  	_ =	sfence  }
0xb8: {  	s30 =	sld [smem:$0x0];
	_ =	sdelay $0x2  }
0xb9: {  	s31 =	sshll.u32 s1, $0xD;
	s1 =	sshrl.u32 s1, $0x2  }
0xba: {  	s3 =	sand.u32 $0x4000, s31;
	s1 =	sadd.s32 s1, s30  }
0xbb: {  	s0 =	sor.u32 s3, s0;
	s1 =	sshll.u32 s1, $0x11  }
0xbc: {  	s0 =	sor.u32 s1, s0  }
0xbd: {  	s0 =	sadd.s32 $0x8F2B, s0  }
0xbe: {  	[sflag:s0] =	ssyncadd.remote.s32 $0x1  }
0xbf: {  	_ =	sfence.sel $0xFFFF  }
0xc0: {  	[dreg:$0x0] =	wrdreg $0xFFFFFFFF;
	(pc) =	sbr.abs _section_cstart, $3  }
0xc1: {  	[dreg:$0x1] =	wrdreg $0xFFFFFFFF  }
0xc2: {  	_ =	task.clear_ibuf [dreg:s7], $0x2FFFF;
	_ =	strace $0x9FFFFFFF  }
0xc3: {  	(tm) =	ssettm $0x7FFFFFFF  }
tec
execute0_lowered:
.L_overlay_start_1:
0x0: {  	(tag) =	ssettag $0x1  }
0x1: {  	s6 =	rddreg [dreg:$0x0]  }
0x2: {  	s7 =	rddreg [dreg:$0x1]  }
0x3: {  	s1 =	rddreg [dreg:$0x2]  }
0x4: {  	s0 =	rddreg [dreg:$0x3];
	s3 =	simm.s32 $0x0;
	s5 =	srdreg.scid  }
0x5: {  	s2 =	stileid.u32;
	s13 =	simm.s32 $0x80;
	s14 =	simm.s32 $0x1  }
0x6: {  	s15 =	simm.s32 $0x100;
	s16 =	simm.s32 $0x0;
	[smem:$0x7FF] =	sst s3  }
0x7: {  	s4 =	sadd.s32 $0x2200, s7;
	s8 =	sand.u32 $0x1, s5;
	s9 =	smul.u32 $0x500, s2  }
0x8: {  	s5 =	sadd.s32 $0x2000, s7;
	s30 =	smul.u32 $0xA00, s2;
	_ =	strace $0x80000047  }
0x9: {  	s10 =	sshll.u32 s8, $0x7;
	s11 =	sshll.u32 s8, $0x4;
	s8 =	ssub.s32 $0x2, s8  }
0xa: {  	s9 =	sor.u32 s10, s9;
	s29 =	sor.u32 s2, s11;
	s31 =	sshrl.u32 s8, $0x1  }
0xb: {  	s11 =	sshrl.u32 s30, $0x2;
	s9 =	sshrl.u32 s9, $0x3;
	s10 =	smul.u32 $0x500, s29  }
0xc: {  	s12 =	ssub.s32 s8, s31;
	s9 =	sadd.s32 s9, s7;
	s7 =	sadd.s32 s11, s1  }
0xd: {  	s11 =	simm.s32 $0x2800;
	s6 =	sadd.s32 s6, s10;
	s8 =	sadd.s32 $0x2400, s9  }
0xe: {  	s9 =	smax.u32 s12, $0x1;
	s10 =	simm.s32 $0x2;
	s12 =	simm.s32 $0x2880  }
.LBB2_1:
0xf: {  	[tilespmem:s3], [sflag:$0x2] =	stream.linear.gather [hbm4b:s6+s3], $0x2800, $0x38;
	[tilespmem:$0x2D80] =	vst v63  }
0x10: {  	_ =	swait.ge [sflag:s10], $0x2800  }
0x11: {  	[sflag:s10] =	ssyncset.done $0x0  }
0x12: {  	[sflag:s10] =	ssyncadd.s32 $0xFFFFD800  }
0x13: {  	[tilespmem:s11], [sflag:$0x2] =	stream.linear.gather [hbm4b:s4+s3], $0x80, $0x38;
	[tilespmem:$0x2D80] =	vst v63  }
0x14: {  	_ =	swait.ge [sflag:s10], $0x80  }
0x15: {  	[sflag:s10] =	ssyncset.done $0x0  }
0x16: {  	[sflag:s10] =	ssyncadd.s32 $0xFFFFFF80  }
0x17: {  	[tilespmem:s12], [sflag:$0x2] =	stream.linear.gather [hbm4b:s5+s3], $0x280, $0x38;
	[tilespmem:$0x2D80] =	vst v63  }
0x18: {  	_ =	swait.ge [sflag:s10], $0x280  }
0x19: {  	[sflag:s10] =	ssyncset.done $0x0  }
0x1a: {  	[sflag:s10] =	ssyncadd.s32 $0xFFFFFD80  }
0x1b: {  	[spmem:s7] =	stream.linear.scatter [tilespmem:s12], [sflag:$0x2], $0x280, $0x38;
	[tilespmem:$0x2D80] =	vst v63  }
0x1c: {  	_ =	swait.ge [sflag:s10], $0x280  }
0x1d: {  	[sflag:s10] =	ssyncset.done $0x0  }
0x1e: {  	[sflag:s10] =	ssyncadd.s32 $0xFFFFFD80  }
0x1f: {  	s17 =	simm.s32 $0x0;
	[bflag:$0x0] =	sbarrier.arrive $0xFFFF  }
0x20: {  	[spmem:s1] =	stream.indirect.scatter.add.f32 [tilespmem:s11], [sflag:$0x1], $0x1, s17, s13, $0xb8;
	[tilespmem:$0x2D80] =	vst v63  }
0x21: {  	s24 =	simm.s32 $0x80  }
0x22: {  	[spmem:s1] =	stream.indirect.scatter.add.f32 [tilespmem:s11], [sflag:$0x1], $0x1, s24, s13, $0xb8;
	[tilespmem:$0x2D80] =	vst v63  }
0x23: {  	s25 =	simm.s32 $0x100  }
0x24: {  	[spmem:s1] =	stream.indirect.scatter.add.f32 [tilespmem:s11], [sflag:$0x1], $0x1, s25, s13, $0xb8;
	[tilespmem:$0x2D80] =	vst v63  }
0x25: {  	s26 =	simm.s32 $0x180  }
0x26: {  	[spmem:s1] =	stream.indirect.scatter.add.f32 [tilespmem:s11], [sflag:$0x1], $0x1, s26, s13, $0xb8;
	[tilespmem:$0x2D80] =	vst v63  }
0x27: {  	s28 =	simm.s32 $0x200  }
0x28: {  	[spmem:s1] =	stream.indirect.scatter.add.f32 [tilespmem:s11], [sflag:$0x1], $0x1, s28, s13, $0xb8;
	[tilespmem:$0x2D80] =	vst v63  }
0x29: {  	s29 =	simm.s32 $0x280  }
0x2a: {  	[spmem:s1] =	stream.indirect.scatter.add.f32 [tilespmem:s11], [sflag:$0x1], $0x1, s29, s13, $0xb8;
	[tilespmem:$0x2D80] =	vst v63  }
0x2b: {  	s30 =	simm.s32 $0x300  }
0x2c: {  	[spmem:s1] =	stream.indirect.scatter.add.f32 [tilespmem:s11], [sflag:$0x1], $0x1, s30, s13, $0xb8;
	[tilespmem:$0x2D80] =	vst v63  }
0x2d: {  	s31 =	simm.s32 $0x380  }
0x2e: {  	[spmem:s1] =	stream.indirect.scatter.add.f32 [tilespmem:s11], [sflag:$0x1], $0x1, s31, s13, $0xb8;
	[tilespmem:$0x2D80] =	vst v63  }
0x2f: {  	_ =	swait.ge [sflag:s14], $0x80  }
0x30: {  	[sflag:s14] =	ssyncset.done $0x0  }
0x31: {  	[sflag:s14] =	ssyncadd.s32 $0xFFFFFF80  }
0x32: {  	_ =	swait.ge [sflag:s14], $0x80  }
0x33: {  	[sflag:s14] =	ssyncset.done $0x0  }
0x34: {  	[sflag:s14] =	ssyncadd.s32 $0xFFFFFF80  }
0x35: {  	_ =	swait.ge [sflag:s14], $0x80  }
0x36: {  	[sflag:s14] =	ssyncset.done $0x0  }
0x37: {  	[sflag:s14] =	ssyncadd.s32 $0xFFFFFF80  }
0x38: {  	_ =	swait.ge [sflag:s14], $0x80  }
0x39: {  	[sflag:s14] =	ssyncset.done $0x0  }
0x3a: {  	[sflag:s14] =	ssyncadd.s32 $0xFFFFFF80  }
0x3b: {  	_ =	swait.ge [sflag:s14], $0x80  }
0x3c: {  	[sflag:s14] =	ssyncset.done $0x0  }
0x3d: {  	[sflag:s14] =	ssyncadd.s32 $0xFFFFFF80  }
0x3e: {  	_ =	swait.ge [sflag:s14], $0x80  }
0x3f: {  	[sflag:s14] =	ssyncset.done $0x0  }
0x40: {  	[sflag:s14] =	ssyncadd.s32 $0xFFFFFF80  }
0x41: {  	_ =	swait.ge [sflag:s14], $0x80  }
0x42: {  	[sflag:s14] =	ssyncset.done $0x0  }
0x43: {  	[sflag:s14] =	ssyncadd.s32 $0xFFFFFF80  }
0x44: {  	_ =	swait.ge [sflag:s14], $0x80  }
0x45: {  	s19 =	simm.s32 $0x2000;
	s17 =	simm.s32 $0x1000;
	[sflag:s14] =	ssyncset.done $0x0  }
.LBB2_2:
0x46: {  	s20 =	sshra.s32 s17, $0x2  }
0x47: {  	[sflag:s14] =	ssyncadd.s32 $0xFFFFFF80;
	s17 =	smov.u32 s19;
	s18 =	sadd.s32 $0x1000, s19  }
0x48: {  	[spmem:s1] =	stream.indirect.scatter.add.f32 [tilespmem:s11], [sflag:$0x1], $0x1, s20, s13, $0xb8;
	[tilespmem:$0x2D80] =	vst v63  }
0x49: {  	p0 =	sne.s32 s19, $0x9000;
	s19 =	sadd.s32 $0x80, s20  }
0x4a: {  	[spmem:s1] =	stream.indirect.scatter.add.f32 [tilespmem:s11], [sflag:$0x1], $0x1, s19, s13, $0xb8;
	[tilespmem:$0x2D80] =	vst v63  }
0x4b: {  	s19 =	sadd.s32 $0x100, s20  }
0x4c: {  	[spmem:s1] =	stream.indirect.scatter.add.f32 [tilespmem:s11], [sflag:$0x1], $0x1, s19, s13, $0xb8;
	[tilespmem:$0x2D80] =	vst v63  }
0x4d: {  	s19 =	sadd.s32 $0x180, s20  }
0x4e: {  	[spmem:s1] =	stream.indirect.scatter.add.f32 [tilespmem:s11], [sflag:$0x1], $0x1, s19, s13, $0xb8;
	[tilespmem:$0x2D80] =	vst v63  }
0x4f: {  	s19 =	sadd.s32 $0x200, s20  }
0x50: {  	[spmem:s1] =	stream.indirect.scatter.add.f32 [tilespmem:s11], [sflag:$0x1], $0x1, s19, s13, $0xb8;
	[tilespmem:$0x2D80] =	vst v63  }
0x51: {  	s19 =	sadd.s32 $0x280, s20  }
0x52: {  	[spmem:s1] =	stream.indirect.scatter.add.f32 [tilespmem:s11], [sflag:$0x1], $0x1, s19, s13, $0xb8;
	[tilespmem:$0x2D80] =	vst v63  }
0x53: {  	s19 =	sadd.s32 $0x300, s20  }
0x54: {  	[spmem:s1] =	stream.indirect.scatter.add.f32 [tilespmem:s11], [sflag:$0x1], $0x1, s19, s13, $0xb8;
	[tilespmem:$0x2D80] =	vst v63  }
0x55: {  	s19 =	sadd.s32 $0x380, s20  }
0x56: {  	[spmem:s1] =	stream.indirect.scatter.add.f32 [tilespmem:s11], [sflag:$0x1], $0x1, s19, s13, $0xb8;
	[tilespmem:$0x2D80] =	vst v63  }
0x57: {  	_ =	swait.ge [sflag:s14], $0x80  }
0x58: {  	[sflag:s14] =	ssyncset.done $0x0  }
0x59: {  	[sflag:s14] =	ssyncadd.s32 $0xFFFFFF80  }
0x5a: {  	_ =	swait.ge [sflag:s14], $0x80  }
0x5b: {  	[sflag:s14] =	ssyncset.done $0x0  }
0x5c: {  	[sflag:s14] =	ssyncadd.s32 $0xFFFFFF80  }
0x5d: {  	_ =	swait.ge [sflag:s14], $0x80  }
0x5e: {  	[sflag:s14] =	ssyncset.done $0x0  }
0x5f: {  	[sflag:s14] =	ssyncadd.s32 $0xFFFFFF80  }
0x60: {  	_ =	swait.ge [sflag:s14], $0x80  }
0x61: {  	[sflag:s14] =	ssyncset.done $0x0  }
0x62: {  	[sflag:s14] =	ssyncadd.s32 $0xFFFFFF80  }
0x63: {  	_ =	swait.ge [sflag:s14], $0x80  }
0x64: {  	[sflag:s14] =	ssyncset.done $0x0  }
0x65: {  	[sflag:s14] =	ssyncadd.s32 $0xFFFFFF80  }
0x66: {  	_ =	swait.ge [sflag:s14], $0x80  }
0x67: {  	[sflag:s14] =	ssyncset.done $0x0  }
0x68: {  	[sflag:s14] =	ssyncadd.s32 $0xFFFFFF80  }
.Ltmp0:
0x69: {  	_ =	swait.ge [sflag:s14], $0x80;
	(pc) =	sbr.rel @p0 .LBB2_2-.Ltmp0, $4  }
0x6a: {  	[sflag:s14] =	ssyncset.done $0x0  }
0x6b: {  	[sflag:s14] =	ssyncadd.s32 $0xFFFFFF80  }
0x6c: {  	_ =	swait.ge [sflag:s14], $0x80  }
0x6d: {  	s19 =	smov.u32 s18;
	[sflag:s14] =	ssyncset.done $0x0  }
0x6e: {  	s17 =	sshra.s32 s17, $0x2;
	[sflag:s14] =	ssyncadd.s32 $0xFFFFFF80  }
0x6f: {  	[spmem:s1] =	stream.indirect.scatter.add.f32 [tilespmem:s11], [sflag:$0x1], $0x1, s17, s13, $0xb8;
	[tilespmem:$0x2D80] =	vst v63  }
0x70: {  	s18 =	sadd.s32 $0x80, s17  }
0x71: {  	[spmem:s1] =	stream.indirect.scatter.add.f32 [tilespmem:s11], [sflag:$0x1], $0x1, s18, s13, $0xb8;
	[tilespmem:$0x2D80] =	vst v63  }
0x72: {  	s26 =	sadd.s32 $0x100, s17  }
0x73: {  	[spmem:s1] =	stream.indirect.scatter.add.f32 [tilespmem:s11], [sflag:$0x1], $0x1, s26, s13, $0xb8;
	[tilespmem:$0x2D80] =	vst v63  }
0x74: {  	s28 =	sadd.s32 $0x180, s17  }
0x75: {  	[spmem:s1] =	stream.indirect.scatter.add.f32 [tilespmem:s11], [sflag:$0x1], $0x1, s28, s13, $0xb8;
	[tilespmem:$0x2D80] =	vst v63  }
0x76: {  	s29 =	sadd.s32 $0x200, s17  }
0x77: {  	[spmem:s1] =	stream.indirect.scatter.add.f32 [tilespmem:s11], [sflag:$0x1], $0x1, s29, s13, $0xb8;
	[tilespmem:$0x2D80] =	vst v63  }
0x78: {  	s30 =	sadd.s32 $0x280, s17  }
0x79: {  	[spmem:s1] =	stream.indirect.scatter.add.f32 [tilespmem:s11], [sflag:$0x1], $0x1, s30, s13, $0xb8;
	[tilespmem:$0x2D80] =	vst v63  }
0x7a: {  	s31 =	sadd.s32 $0x300, s17  }
0x7b: {  	[spmem:s1] =	stream.indirect.scatter.add.f32 [tilespmem:s11], [sflag:$0x1], $0x1, s31, s13, $0xb8;
	[tilespmem:$0x2D80] =	vst v63  }
0x7c: {  	s17 =	sadd.s32 $0x380, s17  }
0x7d: {  	[spmem:s1] =	stream.indirect.scatter.add.f32 [tilespmem:s11], [sflag:$0x1], $0x1, s17, s13, $0xb8;
	[tilespmem:$0x2D80] =	vst v63  }
0x7e: {  	_ =	swait.ge [sflag:s14], $0x80  }
0x7f: {  	[sflag:s14] =	ssyncset.done $0x0  }
0x80: {  	[sflag:s14] =	ssyncadd.s32 $0xFFFFFF80  }
0x81: {  	_ =	swait.ge [sflag:s14], $0x80  }
0x82: {  	[sflag:s14] =	ssyncset.done $0x0  }
0x83: {  	[sflag:s14] =	ssyncadd.s32 $0xFFFFFF80  }
0x84: {  	_ =	swait.ge [sflag:s14], $0x80  }
0x85: {  	[sflag:s14] =	ssyncset.done $0x0  }
0x86: {  	[sflag:s14] =	ssyncadd.s32 $0xFFFFFF80  }
0x87: {  	_ =	swait.ge [sflag:s14], $0x80  }
0x88: {  	[sflag:s14] =	ssyncset.done $0x0  }
0x89: {  	[sflag:s14] =	ssyncadd.s32 $0xFFFFFF80  }
0x8a: {  	_ =	swait.ge [sflag:s14], $0x80  }
0x8b: {  	[sflag:s14] =	ssyncset.done $0x0  }
0x8c: {  	[sflag:s14] =	ssyncadd.s32 $0xFFFFFF80  }
0x8d: {  	_ =	swait.ge [sflag:s14], $0x80  }
0x8e: {  	[sflag:s14] =	ssyncset.done $0x0  }
0x8f: {  	[sflag:s14] =	ssyncadd.s32 $0xFFFFFF80  }
0x90: {  	_ =	swait.ge [sflag:s14], $0x80  }
0x91: {  	[sflag:s14] =	ssyncset.done $0x0  }
0x92: {  	[sflag:s14] =	ssyncadd.s32 $0xFFFFFF80  }
0x93: {  	_ =	swait.ge [sflag:s14], $0x80  }
0x94: {  	[sflag:s14] =	ssyncset.done $0x0  }
0x95: {  	[sflag:s14] =	ssyncadd.s32 $0xFFFFFF80  }
0x96: {  	[bflag:$0x0] =	sbarrier.arrive $0xFFFF  }
0x97: {  	[tilespmem:s12], [sflag:$0x2] =	stream.linear.gather [spmem:s7], $0x280, $0x38;
	[tilespmem:$0x2D80] =	vst v63  }
0x98: {  	s16 =	sadd.s32 $0x1, s16;
	_ =	swait.ge [sflag:s10], $0x280  }
0x99: {  	p0 =	sne.s32 s16, s9;
	[sflag:s10] =	ssyncset.done $0x0  }
.Ltmp1:
0x9a: {  	[sflag:s10] =	ssyncadd.s32 $0xFFFFFD80;
	(pc) =	sbr.rel @p0 .LBB2_1-.Ltmp1, $4  }
0x9b: {  	[hbm4b:s8+s13] =	stream.strided.scatter [tilespmem:s12], [sflag:$0x2], $0x280, s15, s13, $0x38;
	[tilespmem:$0x2D80] =	vst v63  }
0x9c: {  	_ =	swait.ge [sflag:s10], $0x280  }
0x9d: {  	[sflag:s10] =	ssyncset.done $0x0  }
0x9e: {  	[sflag:s10] =	ssyncadd.s32 $0xFFFFFD80  }
0x9f: {  	_ =	sfence.sel $0x180000  }
0xa0: {  	[bflag:$0x0] =	sbarrier.arrive $0xFFFF  }
0xa1: {  	p0 =	sne.s32 s2, $0x0;
	_ =	strace $0x90000047  }
0xa2: {  	s0 =	sadd.s32 @!p0 $0x100000, s0;
	[bflag:$0x2] =	sbarrier.arrive $0xFFFF  }
0xa3: {  	[sflag:s0] =	ssyncadd.tile.s32 @!p0 $0x1;
	_ =	shalt  }
.Lfunc_end2:
_tile_overlayer_lowered:
.L_overlay_start_2:
0xa4: {  	(tag) =	ssettag $0x2  }
0xa5: {  	s0 =	rddreg [dreg:$0x0];
	s2 =	stileid.u32  }
0xa6: {  	s1 =	rddreg [dreg:$0x1];
	p0 =	sne.s32 s2, $0x0  }
0xa7: {  	s3 =	rddreg [dreg:$0x2];
	[bflag:$0x3] =	sbarrier.arrive $0xFFFF;
	s2 =	simm.s32 @!p0 $0x1C02  }
0xa8: {  	[timem:s3], [sflag:s2] =	dma.local @!p0 [hbm:s0], s1  }
0xa9: {  	s0 =	simm.s32 @!p0 $0x2  }
0xaa: {  	_ =	swait.ge @!p0 [sflag:s0], s1  }
0xab: {  	s1 =	ssub.s32 @!p0 $0x0, s1;
	[sflag:s0] =	ssyncset.done @!p0 $0x0  }
0xac: {  	[sflag:s0] =	ssyncadd.s32 @!p0 s1  }
0xad: {  	[bflag:$0x3] =	sbarrier.arrive $0xFFFF  }
0xae: {  	_ =	shalt  }

</sc_bundles>
